<compile_context>
chip_gen: v7x
topology: tpu7x:2x2x1
jax: 0.10.2.dev20260603
libtpu: 0.0.44.dev20260713+nightly
codegen_flags: <defaults>
</compile_context>

<pallas_src>
import functools

import jax
import jax.numpy as jnp
from jax import lax
from jax.experimental import pallas as pl
from jax.experimental.pallas import tpu as pltpu
from jax.experimental.pallas import tpu_sc as plsc

_E = 1024
_SL = 128
_BB = 8

_NW = 32


def _vq_block(z_ref, emb2_ref, esq_ref, idx_ref, loss_ref):
    i = pl.program_id(0)
    nb = pl.num_programs(0)
    emb2 = emb2_ref[...]
    esq = esq_ref[...]
    t = z_ref.shape[2]
    io = jax.lax.broadcasted_iota(jnp.int32, (_SL, t), 0)

    part = jnp.zeros((1, 1), jnp.float32)
    for b in range(_BB):
        z = z_ref[b]
        zsq = jnp.sum(z * z, axis=0, keepdims=True)
        s2 = jax.lax.dot_general(emb2, z, (((1,), (0,)), ((), ())),
                                 preferred_element_type=jnp.float32)

        m = None
        idx = None
        for k in range(_E // _SL):
            sl = slice(k * _SL, (k + 1) * _SL)
            d = (zsq + esq[sl]) - s2[sl]
            mk = jnp.min(d, axis=0, keepdims=True)
            ik = jnp.min(jnp.where(d == mk, io, _SL), axis=0) + (k * _SL)
            if m is None:
                m, idx = mk, ik
            else:
                better = mk < m
                idx = jnp.where(better[0], ik, idx)
                m = jnp.where(better, mk, m)

        idx_ref[0, b] = idx.astype(jnp.int32)
        part = part + jnp.sum(m).reshape(1, 1)

    @pl.when(i == 0)
    def _():
        loss_ref[...] = part

    @pl.when(i > 0)
    def _():
        loss_ref[...] = loss_ref[...] + part

    @pl.when(i == nb - 1)
    def _():
        loss_ref[...] = loss_ref[...] / (nb * _BB * 64 * 576)


def _sc_gather(table, idx_flat):
    n = idx_flat.shape[0]
    d = table.shape[1]
    b_per_w = n // _NW
    chunk = 96
    mesh = plsc.VectorSubcoreMesh(core_axis_name="c", subcore_axis_name="s")

    @functools.partial(
        pl.kernel, mesh=mesh,
        out_type=jax.ShapeDtypeStruct((n, d), jnp.float32),
        scratch_types=[
            pltpu.VMEM((chunk,), jnp.int32),
            pltpu.VMEM((chunk, d), jnp.float32),
            pltpu.SemaphoreType.DMA,
        ],
    )
    def k(table_hbm, idx_hbm, out_hbm, idx_v, rows_v, sem):
        wid = lax.axis_index("s") * 2 + lax.axis_index("c")
        base = wid * b_per_w
        for c in range(b_per_w // chunk):
            off = base + c * chunk
            pltpu.sync_copy(idx_hbm.at[pl.ds(off, chunk)], idx_v)
            pltpu.async_copy(table_hbm.at[idx_v], rows_v, sem).wait()
            pltpu.sync_copy(rows_v, out_hbm.at[pl.ds(off, chunk)])

    return k(table, idx_flat)


def kernel(z_e, emb_weight):
    B, D, T = z_e.shape
    z32 = z_e.astype(jnp.float32)
    esq = jnp.sum(emb_weight ** 2, axis=1)[:, None]
    emb2 = emb_weight * 2.0

    idx3, loss = pl.pallas_call(
        _vq_block,
        grid=(B // _BB,),
        in_specs=[
            pl.BlockSpec((_BB, D, T), lambda i: (i, 0, 0)),
            pl.BlockSpec((_E, D), lambda i: (0, 0)),
            pl.BlockSpec((_E, 1), lambda i: (0, 0)),
        ],
        out_specs=[
            pl.BlockSpec((1, _BB, T), lambda i: (i, 0, 0)),
            pl.BlockSpec((1, 1), lambda i: (0, 0)),
        ],
        out_shape=[
            jax.ShapeDtypeStruct((B // _BB, _BB, T), jnp.int32),
            jax.ShapeDtypeStruct((1, 1), jnp.float32),
        ],
    )(z32, emb2, esq)

    encoding_indices = idx3.reshape(B, T)
    table = jnp.pad(emb_weight, ((0, 0), (0, 128 - D)))
    rows = _sc_gather(table, idx3.reshape(B * T))
    z_q_out = jnp.transpose(rows.reshape(B, T, 128)[:, :, :D],
                            (0, 2, 1)).astype(z_e.dtype)
    e_loss = loss[0, 0]
    return (z_q_out, e_loss, encoding_indices)

# --- scband reference (transcript-rebuilt; emitter-appended) ---
"""Pipeline reference for scband-vector-quantizer-single-33535104647394 (READ-ONLY COPY).

The authoritative reference and input builder live on the scoring server;
editing this copy changes nothing except your own understanding.
"""

import jax, jax.numpy as jnp
import numpy as np

NUM_EMBEDDINGS = 1024
EMBEDDING_DIM = 64


def setup_inputs(seed: int = 0) -> dict:
    key = jax.random.key(seed)
    k1, k2 = jax.random.split(key)
    z_e = jax.random.normal(k1, (16, 64, 576), dtype=jnp.float32)
    emb_weight = jax.random.uniform(
        k2, (NUM_EMBEDDINGS, EMBEDDING_DIM),
        minval=-1.0 / NUM_EMBEDDINGS, maxval=1.0 / NUM_EMBEDDINGS,
        dtype=jnp.float32)
    return {"z_e": z_e, "emb_weight": emb_weight}


def reference(z_e, emb_weight):
    z_e_float = z_e.astype(jnp.float32)
    B, D, T = z_e_float.shape
    z_e_flat = jnp.transpose(z_e_float, (0, 2, 1)).reshape(-1, D)
    distances = (jnp.sum(z_e_flat ** 2, axis=1, keepdims=True)
                 + jnp.sum(emb_weight ** 2, axis=1)
                 - 2.0 * jnp.matmul(z_e_flat, emb_weight.T))
    encoding_indices = jnp.argmin(distances, axis=1)
    z_q = jnp.take(emb_weight, encoding_indices, axis=0).reshape(B, -1, D)
    z_q = jnp.transpose(z_q, (0, 2, 1))
    e_loss = jnp.mean((jax.lax.stop_gradient(z_q) - z_e_float) ** 2)
    z_q_out = z_e + jax.lax.stop_gradient(z_q - z_e_float)
    return (z_q_out, e_loss, encoding_indices.reshape(B, -1))

if __name__ == "__main__":
    import jax
    _d = setup_inputs()
    print(jax.jit(kernel)(*tuple(_d.values())))

</pallas_src>

<mosaic_0001>
#map = affine_map<(d0, d1) -> (0, 0)>
#map1 = affine_map<(d0, d1) -> (0)>
module attributes {stable_mosaic.version = 14 : i64} {
  func.func @k(%arg0: i32, %arg1: i32, %arg2: memref<1024x128xf32, #tpu.memory_space<hbm>>, %arg3: memref<9216xi32, #tpu.memory_space<hbm>>, %arg4: memref<9216x128xf32, #tpu.memory_space<hbm>>, %arg5: memref<96xi32, #tpu.memory_space<vmem>>, %arg6: memref<96x128xf32, #tpu.memory_space<vmem>>, %arg7: memref<!tpu.dma_semaphore, #tpu.memory_space<semaphore_mem>>) attributes {dimension_semantics = [#tpu.dimension_semantics<core_parallel>, #tpu.dimension_semantics<subcore_parallel>], iteration_bounds = array<i64: 2, 16>, scalar_prefetch = 0 : i64, scratch_operands = 3 : i64, tpu.core_type = #tpu.core_type<sc_vector_subcore>, window_params = [{transform_indices = #map}, {transform_indices = #map1}, {transform_indices = #map}]} {
    %mul3A = arith.constant 2 : i32
    %mul3A_0 = arith.muli %arg1, %mul3A : i32
    %add3A = arith.addi %mul3A_0, %arg0 : i32
    %mul3A_1 = arith.constant 288 : i32
    %mul3A_2 = arith.muli %add3A, %mul3A_1 : i32
    %add3A_3 = arith.constant 0 : i32
    %add3A_4 = arith.addi %mul3A_2, %add3A_3 : i32
    "tpu.region"() ({
      %run_scoped3A = tpu.sem_alloc : memref<!tpu.dma_semaphore, #tpu.memory_space<semaphore_mem>>
      %dma_start3A_25 = tpu.memref_slice %arg3[%add3A_4] : memref<9216xi32, #tpu.memory_space<hbm>> -> memref<96xi32, #tpu.memory_space<hbm>>
      %dma_start3A_26 = tpu.memref_slice %arg3[%add3A_4] : memref<9216xi32, #tpu.memory_space<hbm>> -> memref<96xi32, #tpu.memory_space<hbm>>
      tpu.enqueue_dma source(%dma_start3A_26 : memref<96xi32, #tpu.memory_space<hbm>>) target(%arg5 : memref<96xi32, #tpu.memory_space<vmem>>) target_semaphore(%run_scoped3A : memref<!tpu.dma_semaphore, #tpu.memory_space<semaphore_mem>>)
      %dma_wait3A_27 = tpu.memref_slice %arg3[%add3A_4] : memref<9216xi32, #tpu.memory_space<hbm>> -> memref<96xi32, #tpu.memory_space<hbm>>
      %dma_wait3A_28 = tpu.memref_slice %arg3[%add3A_4] : memref<9216xi32, #tpu.memory_space<hbm>> -> memref<96xi32, #tpu.memory_space<hbm>>
      tpu.wait_dma2 semaphore(%run_scoped3A : memref<!tpu.dma_semaphore, #tpu.memory_space<semaphore_mem>>) src(%dma_wait3A_28 : memref<96xi32, #tpu.memory_space<hbm>>) dst(%arg5 : memref<96xi32, #tpu.memory_space<vmem>>)
      tpu.yield
    }) : () -> ()
    %dma_start3A = arith.constant 0 : i32
    %dma_start3A_5 = arith.constant 0 : i32
    %dma_start3A_6 = tpu.memref_slice %arg2[%dma_start3A, %dma_start3A_5] : memref<1024x128xf32, #tpu.memory_space<hbm>> -> memref<1024x128xf32, #tpu.memory_space<hbm>>
    tpu.enqueue_indirect_dma source(%dma_start3A_6 : memref<1024x128xf32, #tpu.memory_space<hbm>>) target(%arg6 : memref<96x128xf32, #tpu.memory_space<vmem>>) offsets(%arg5 : memref<96xi32, #tpu.memory_space<vmem>>) semaphore(%arg7 : memref<!tpu.dma_semaphore, #tpu.memory_space<semaphore_mem>>)
    %dma_wait3A = arith.constant 0 : i32
    %dma_wait3A_7 = arith.constant 0 : i32
    %dma_wait3A_8 = tpu.memref_slice %arg2[%dma_wait3A, %dma_wait3A_7] : memref<1024x128xf32, #tpu.memory_space<hbm>> -> memref<1024x128xf32, #tpu.memory_space<hbm>>
    tpu.wait_indirect_dma semaphore(%arg7 : memref<!tpu.dma_semaphore, #tpu.memory_space<semaphore_mem>>) src(%dma_wait3A_8 : memref<1024x128xf32, #tpu.memory_space<hbm>>) dst(%arg6 : memref<96x128xf32, #tpu.memory_space<vmem>>)
    "tpu.region"() ({
      %run_scoped3A = tpu.sem_alloc : memref<!tpu.dma_semaphore, #tpu.memory_space<semaphore_mem>>
      %dma_start3A_25 = arith.constant 0 : i32
      %dma_start3A_26 = tpu.memref_slice %arg4[%add3A_4, %dma_start3A_25] : memref<9216x128xf32, #tpu.memory_space<hbm>> -> memref<96x128xf32, #tpu.memory_space<hbm>>
      %dma_start3A_27 = arith.constant 0 : i32
      %dma_start3A_28 = tpu.memref_slice %arg4[%add3A_4, %dma_start3A_27] : memref<9216x128xf32, #tpu.memory_space<hbm>> -> memref<96x128xf32, #tpu.memory_space<hbm>>
      tpu.enqueue_dma source(%arg6 : memref<96x128xf32, #tpu.memory_space<vmem>>) target(%dma_start3A_28 : memref<96x128xf32, #tpu.memory_space<hbm>>) target_semaphore(%run_scoped3A : memref<!tpu.dma_semaphore, #tpu.memory_space<semaphore_mem>>)
      %dma_wait3A_29 = arith.constant 0 : i32
      %dma_wait3A_30 = tpu.memref_slice %arg4[%add3A_4, %dma_wait3A_29] : memref<9216x128xf32, #tpu.memory_space<hbm>> -> memref<96x128xf32, #tpu.memory_space<hbm>>
      %dma_wait3A_31 = arith.constant 0 : i32
      %dma_wait3A_32 = tpu.memref_slice %arg4[%add3A_4, %dma_wait3A_31] : memref<9216x128xf32, #tpu.memory_space<hbm>> -> memref<96x128xf32, #tpu.memory_space<hbm>>
      tpu.wait_dma2 semaphore(%run_scoped3A : memref<!tpu.dma_semaphore, #tpu.memory_space<semaphore_mem>>) src(%arg6 : memref<96x128xf32, #tpu.memory_space<vmem>>) dst(%dma_wait3A_32 : memref<96x128xf32, #tpu.memory_space<hbm>>)
      tpu.yield
    }) : () -> ()
    %add3A_9 = arith.constant 96 : i32
    %add3A_10 = arith.addi %mul3A_2, %add3A_9 : i32
    "tpu.region"() ({
      %run_scoped3A = tpu.sem_alloc : memref<!tpu.dma_semaphore, #tpu.memory_space<semaphore_mem>>
      %dma_start3A_25 = tpu.memref_slice %arg3[%add3A_10] : memref<9216xi32, #tpu.memory_space<hbm>> -> memref<96xi32, #tpu.memory_space<hbm>>
      %dma_start3A_26 = tpu.memref_slice %arg3[%add3A_10] : memref<9216xi32, #tpu.memory_space<hbm>> -> memref<96xi32, #tpu.memory_space<hbm>>
      tpu.enqueue_dma source(%dma_start3A_26 : memref<96xi32, #tpu.memory_space<hbm>>) target(%arg5 : memref<96xi32, #tpu.memory_space<vmem>>) target_semaphore(%run_scoped3A : memref<!tpu.dma_semaphore, #tpu.memory_space<semaphore_mem>>)
      %dma_wait3A_27 = tpu.memref_slice %arg3[%add3A_10] : memref<9216xi32, #tpu.memory_space<hbm>> -> memref<96xi32, #tpu.memory_space<hbm>>
      %dma_wait3A_28 = tpu.memref_slice %arg3[%add3A_10] : memref<9216xi32, #tpu.memory_space<hbm>> -> memref<96xi32, #tpu.memory_space<hbm>>
      tpu.wait_dma2 semaphore(%run_scoped3A : memref<!tpu.dma_semaphore, #tpu.memory_space<semaphore_mem>>) src(%dma_wait3A_28 : memref<96xi32, #tpu.memory_space<hbm>>) dst(%arg5 : memref<96xi32, #tpu.memory_space<vmem>>)
      tpu.yield
    }) : () -> ()
    %dma_start3A_11 = arith.constant 0 : i32
    %dma_start3A_12 = arith.constant 0 : i32
    %dma_start3A_13 = tpu.memref_slice %arg2[%dma_start3A_11, %dma_start3A_12] : memref<1024x128xf32, #tpu.memory_space<hbm>> -> memref<1024x128xf32, #tpu.memory_space<hbm>>
    tpu.enqueue_indirect_dma source(%dma_start3A_13 : memref<1024x128xf32, #tpu.memory_space<hbm>>) target(%arg6 : memref<96x128xf32, #tpu.memory_space<vmem>>) offsets(%arg5 : memref<96xi32, #tpu.memory_space<vmem>>) semaphore(%arg7 : memref<!tpu.dma_semaphore, #tpu.memory_space<semaphore_mem>>)
    %dma_wait3A_14 = arith.constant 0 : i32
    %dma_wait3A_15 = arith.constant 0 : i32
    %dma_wait3A_16 = tpu.memref_slice %arg2[%dma_wait3A_14, %dma_wait3A_15] : memref<1024x128xf32, #tpu.memory_space<hbm>> -> memref<1024x128xf32, #tpu.memory_space<hbm>>
    tpu.wait_indirect_dma semaphore(%arg7 : memref<!tpu.dma_semaphore, #tpu.memory_space<semaphore_mem>>) src(%dma_wait3A_16 : memref<1024x128xf32, #tpu.memory_space<hbm>>) dst(%arg6 : memref<96x128xf32, #tpu.memory_space<vmem>>)
    "tpu.region"() ({
      %run_scoped3A = tpu.sem_alloc : memref<!tpu.dma_semaphore, #tpu.memory_space<semaphore_mem>>
      %dma_start3A_25 = arith.constant 0 : i32
      %dma_start3A_26 = tpu.memref_slice %arg4[%add3A_10, %dma_start3A_25] : memref<9216x128xf32, #tpu.memory_space<hbm>> -> memref<96x128xf32, #tpu.memory_space<hbm>>
      %dma_start3A_27 = arith.constant 0 : i32
      %dma_start3A_28 = tpu.memref_slice %arg4[%add3A_10, %dma_start3A_27] : memref<9216x128xf32, #tpu.memory_space<hbm>> -> memref<96x128xf32, #tpu.memory_space<hbm>>
      tpu.enqueue_dma source(%arg6 : memref<96x128xf32, #tpu.memory_space<vmem>>) target(%dma_start3A_28 : memref<96x128xf32, #tpu.memory_space<hbm>>) target_semaphore(%run_scoped3A : memref<!tpu.dma_semaphore, #tpu.memory_space<semaphore_mem>>)
      %dma_wait3A_29 = arith.constant 0 : i32
      %dma_wait3A_30 = tpu.memref_slice %arg4[%add3A_10, %dma_wait3A_29] : memref<9216x128xf32, #tpu.memory_space<hbm>> -> memref<96x128xf32, #tpu.memory_space<hbm>>
      %dma_wait3A_31 = arith.constant 0 : i32
      %dma_wait3A_32 = tpu.memref_slice %arg4[%add3A_10, %dma_wait3A_31] : memref<9216x128xf32, #tpu.memory_space<hbm>> -> memref<96x128xf32, #tpu.memory_space<hbm>>
      tpu.wait_dma2 semaphore(%run_scoped3A : memref<!tpu.dma_semaphore, #tpu.memory_space<semaphore_mem>>) src(%arg6 : memref<96x128xf32, #tpu.memory_space<vmem>>) dst(%dma_wait3A_32 : memref<96x128xf32, #tpu.memory_space<hbm>>)
      tpu.yield
    }) : () -> ()
    %add3A_17 = arith.constant 192 : i32
    %add3A_18 = arith.addi %mul3A_2, %add3A_17 : i32
    "tpu.region"() ({
      %run_scoped3A = tpu.sem_alloc : memref<!tpu.dma_semaphore, #tpu.memory_space<semaphore_mem>>
      %dma_start3A_25 = tpu.memref_slice %arg3[%add3A_18] : memref<9216xi32, #tpu.memory_space<hbm>> -> memref<96xi32, #tpu.memory_space<hbm>>
      %dma_start3A_26 = tpu.memref_slice %arg3[%add3A_18] : memref<9216xi32, #tpu.memory_space<hbm>> -> memref<96xi32, #tpu.memory_space<hbm>>
      tpu.enqueue_dma source(%dma_start3A_26 : memref<96xi32, #tpu.memory_space<hbm>>) target(%arg5 : memref<96xi32, #tpu.memory_space<vmem>>) target_semaphore(%run_scoped3A : memref<!tpu.dma_semaphore, #tpu.memory_space<semaphore_mem>>)
      %dma_wait3A_27 = tpu.memref_slice %arg3[%add3A_18] : memref<9216xi32, #tpu.memory_space<hbm>> -> memref<96xi32, #tpu.memory_space<hbm>>
      %dma_wait3A_28 = tpu.memref_slice %arg3[%add3A_18] : memref<9216xi32, #tpu.memory_space<hbm>> -> memref<96xi32, #tpu.memory_space<hbm>>
      tpu.wait_dma2 semaphore(%run_scoped3A : memref<!tpu.dma_semaphore, #tpu.memory_space<semaphore_mem>>) src(%dma_wait3A_28 : memref<96xi32, #tpu.memory_space<hbm>>) dst(%arg5 : memref<96xi32, #tpu.memory_space<vmem>>)
      tpu.yield
    }) : () -> ()
    %dma_start3A_19 = arith.constant 0 : i32
    %dma_start3A_20 = arith.constant 0 : i32
    %dma_start3A_21 = tpu.memref_slice %arg2[%dma_start3A_19, %dma_start3A_20] : memref<1024x128xf32, #tpu.memory_space<hbm>> -> memref<1024x128xf32, #tpu.memory_space<hbm>>
    tpu.enqueue_indirect_dma source(%dma_start3A_21 : memref<1024x128xf32, #tpu.memory_space<hbm>>) target(%arg6 : memref<96x128xf32, #tpu.memory_space<vmem>>) offsets(%arg5 : memref<96xi32, #tpu.memory_space<vmem>>) semaphore(%arg7 : memref<!tpu.dma_semaphore, #tpu.memory_space<semaphore_mem>>)
    %dma_wait3A_22 = arith.constant 0 : i32
    %dma_wait3A_23 = arith.constant 0 : i32
    %dma_wait3A_24 = tpu.memref_slice %arg2[%dma_wait3A_22, %dma_wait3A_23] : memref<1024x128xf32, #tpu.memory_space<hbm>> -> memref<1024x128xf32, #tpu.memory_space<hbm>>
    tpu.wait_indirect_dma semaphore(%arg7 : memref<!tpu.dma_semaphore, #tpu.memory_space<semaphore_mem>>) src(%dma_wait3A_24 : memref<1024x128xf32, #tpu.memory_space<hbm>>) dst(%arg6 : memref<96x128xf32, #tpu.memory_space<vmem>>)
    "tpu.region"() ({
      %run_scoped3A = tpu.sem_alloc : memref<!tpu.dma_semaphore, #tpu.memory_space<semaphore_mem>>
      %dma_start3A_25 = arith.constant 0 : i32
      %dma_start3A_26 = tpu.memref_slice %arg4[%add3A_18, %dma_start3A_25] : memref<9216x128xf32, #tpu.memory_space<hbm>> -> memref<96x128xf32, #tpu.memory_space<hbm>>
      %dma_start3A_27 = arith.constant 0 : i32
      %dma_start3A_28 = tpu.memref_slice %arg4[%add3A_18, %dma_start3A_27] : memref<9216x128xf32, #tpu.memory_space<hbm>> -> memref<96x128xf32, #tpu.memory_space<hbm>>
      tpu.enqueue_dma source(%arg6 : memref<96x128xf32, #tpu.memory_space<vmem>>) target(%dma_start3A_28 : memref<96x128xf32, #tpu.memory_space<hbm>>) target_semaphore(%run_scoped3A : memref<!tpu.dma_semaphore, #tpu.memory_space<semaphore_mem>>)
      %dma_wait3A_29 = arith.constant 0 : i32
      %dma_wait3A_30 = tpu.memref_slice %arg4[%add3A_18, %dma_wait3A_29] : memref<9216x128xf32, #tpu.memory_space<hbm>> -> memref<96x128xf32, #tpu.memory_space<hbm>>
      %dma_wait3A_31 = arith.constant 0 : i32
      %dma_wait3A_32 = tpu.memref_slice %arg4[%add3A_18, %dma_wait3A_31] : memref<9216x128xf32, #tpu.memory_space<hbm>> -> memref<96x128xf32, #tpu.memory_space<hbm>>
      tpu.wait_dma2 semaphore(%run_scoped3A : memref<!tpu.dma_semaphore, #tpu.memory_space<semaphore_mem>>) src(%arg6 : memref<96x128xf32, #tpu.memory_space<vmem>>) dst(%dma_wait3A_32 : memref<96x128xf32, #tpu.memory_space<hbm>>)
      tpu.yield
    }) : () -> ()
    return
  }
}

module attributes {stable_mosaic.version = 14 : i64} {
  func.func @_vq_block(%arg0: i32, %arg1: memref<8x64x576xf32, #tpu.memory_space<vmem>>, %arg2: memref<1024x64xf32, #tpu.memory_space<vmem>>, %arg3: memref<1024x1xf32, #tpu.memory_space<vmem>>, %arg4: memref<1x8x576xi32, #tpu.memory_space<vmem>>, %arg5: memref<1x1xf32, #tpu.memory_space<vmem>>) attributes {dimension_semantics = [#tpu.dimension_semantics<arbitrary>], iteration_bounds = array<i64: 2>, scalar_prefetch = 0 : i64, scratch_operands = 0 : i64, tpu.core_type = #tpu.core_type<tc>, window_params = [{transform_indices = @transform_0, window_bounds = array<i64: 8, 64, 576>}, {pipeline_mode = #tpu.pipeline_mode<synchronous>, transform_indices = @transform_1, window_bounds = array<i64: 1024, 64>}, {pipeline_mode = #tpu.pipeline_mode<synchronous>, transform_indices = @transform_2, window_bounds = array<i64: 1024, 1>}, {transform_indices = @transform_3, window_bounds = array<i64: 1, 8, 576>}, {pipeline_mode = #tpu.pipeline_mode<synchronous>, transform_indices = @transform_4, window_bounds = array<i64: 1, 1>}]} {
    %get3A = arith.constant 0 : index
    %get3A_0 = arith.constant 0 : index
    %get3A_1 = vector.load %arg2[%get3A, %get3A_0] : memref<1024x64xf32, #tpu.memory_space<vmem>>, vector<1024x64xf32>
    %get3A_2 = arith.constant 0 : index
    %get3A_3 = arith.constant 0 : index
    %get3A_4 = vector.load %arg3[%get3A_2, %get3A_3] : memref<1024x1xf32, #tpu.memory_space<vmem>>, vector<1024x1xf32>
    %iota3A = tpu.iota {dimensions = array<i32: 0>} : vector<128x576xi32>
    %broadcast_in_dim3A = arith.constant 0.000000e+00 : f32
    %broadcast_in_dim3A_5 = vector.broadcast %broadcast_in_dim3A : f32 to vector<1x1xf32>
    %get3A_6 = arith.constant 0 : index
    %get3A_7 = arith.constant 0 : index
    %get3A_8 = arith.constant 0 : index
    %get3A_9 = vector.load %arg1[%get3A_6, %get3A_7, %get3A_8] : memref<8x64x576xf32, #tpu.memory_space<vmem>>, vector<1x64x576xf32>
    %get3A_10 = vector.shape_cast %get3A_9 : vector<1x64x576xf32> to vector<64x576xf32>
    %mul3A = arith.mulf %get3A_10, %get3A_10 : vector<64x576xf32>
    %reduce_sum3A = arith.constant dense<0.000000e+00> : vector<576xf32>
    %reduce_sum3A_11 = vector.multi_reduction <add>, %mul3A, %reduce_sum3A [0] : vector<64x576xf32> to vector<576xf32>
    %broadcast_in_dim3A_12 = vector.shape_cast %reduce_sum3A_11 : vector<576xf32> to vector<1x576xf32>
    %dot_general3A = arith.constant dense<0.000000e+00> : vector<1024x576xf32>
    %dot_general3A_13 = tpu.matmul %get3A_1, %get3A_10, %dot_general3A {dimension_numbers = #tpu.dot_dimension_numbers<[1], [0], [0], [1], [0, 0, 1, 1], [], []>, transpose_lhs_hint = false} : vector<1024x64xf32>, vector<64x576xf32>, vector<1024x576xf32> -> vector<1024x576xf32>
    %slice3A = vector.extract_strided_slice %get3A_4 {offsets = [0, 0], sizes = [128, 1], strides = [1, 1]} : vector<1024x1xf32> to vector<128x1xf32>
    %add3A = vector.broadcast %broadcast_in_dim3A_12 : vector<1x576xf32> to vector<128x576xf32>
    %add3A_14 = vector.broadcast %slice3A : vector<128x1xf32> to vector<128x576xf32>
    %add3A_15 = arith.addf %add3A, %add3A_14 : vector<128x576xf32>
    %slice3A_16 = vector.extract_strided_slice %dot_general3A_13 {offsets = [0, 0], sizes = [128, 576], strides = [1, 1]} : vector<1024x576xf32> to vector<128x576xf32>
    %sub3A = arith.subf %add3A_15, %slice3A_16 : vector<128x576xf32>
    %reduce_min3A = arith.constant dense<0x7F800000> : vector<576xf32>
    %reduce_min3A_17 = vector.multi_reduction <minimumf>, %sub3A, %reduce_min3A [0] : vector<128x576xf32> to vector<576xf32>
    %broadcast_in_dim3A_18 = vector.shape_cast %reduce_min3A_17 : vector<576xf32> to vector<1x576xf32>
    %eq3A = vector.broadcast %broadcast_in_dim3A_18 : vector<1x576xf32> to vector<128x576xf32>
    %eq3A_19 = arith.cmpf oeq, %sub3A, %eq3A : vector<128x576xf32>
    %jit3A = arith.constant 128 : i32
    %broadcast_in_dim3A_20 = vector.broadcast %jit3A : i32 to vector<128x576xi32>
    %select_n3A = arith.select %eq3A_19, %iota3A, %broadcast_in_dim3A_20 : vector<128x576xi1>, vector<128x576xi32>
    %reduce_min3A_21 = arith.constant dense<2147483647> : vector<576xi32>
    %reduce_min3A_22 = vector.multi_reduction <minsi>, %select_n3A, %reduce_min3A_21 [0] : vector<128x576xi32> to vector<576xi32>
    %add3A_23 = arith.constant 0 : i32
    %add3A_24 = vector.broadcast %add3A_23 : i32 to vector<576xi32>
    %add3A_25 = arith.addi %reduce_min3A_22, %add3A_24 : vector<576xi32>
    %slice3A_26 = vector.extract_strided_slice %get3A_4 {offsets = [128, 0], sizes = [128, 1], strides = [1, 1]} : vector<1024x1xf32> to vector<128x1xf32>
    %add3A_27 = vector.broadcast %broadcast_in_dim3A_12 : vector<1x576xf32> to vector<128x576xf32>
    %add3A_28 = vector.broadcast %slice3A_26 : vector<128x1xf32> to vector<128x576xf32>
    %add3A_29 = arith.addf %add3A_27, %add3A_28 : vector<128x576xf32>
    %slice3A_30 = vector.extract_strided_slice %dot_general3A_13 {offsets = [128, 0], sizes = [128, 576], strides = [1, 1]} : vector<1024x576xf32> to vector<128x576xf32>
    %sub3A_31 = arith.subf %add3A_29, %slice3A_30 : vector<128x576xf32>
    %reduce_min3A_32 = arith.constant dense<0x7F800000> : vector<576xf32>
    %reduce_min3A_33 = vector.multi_reduction <minimumf>, %sub3A_31, %reduce_min3A_32 [0] : vector<128x576xf32> to vector<576xf32>
    %broadcast_in_dim3A_34 = vector.shape_cast %reduce_min3A_33 : vector<576xf32> to vector<1x576xf32>
    %eq3A_35 = vector.broadcast %broadcast_in_dim3A_34 : vector<1x576xf32> to vector<128x576xf32>
    %eq3A_36 = arith.cmpf oeq, %sub3A_31, %eq3A_35 : vector<128x576xf32>
    %jit3A_37 = arith.constant 128 : i32
    %broadcast_in_dim3A_38 = vector.broadcast %jit3A_37 : i32 to vector<128x576xi32>
    %select_n3A_39 = arith.select %eq3A_36, %iota3A, %broadcast_in_dim3A_38 : vector<128x576xi1>, vector<128x576xi32>
    %reduce_min3A_40 = arith.constant dense<2147483647> : vector<576xi32>
    %reduce_min3A_41 = vector.multi_reduction <minsi>, %select_n3A_39, %reduce_min3A_40 [0] : vector<128x576xi32> to vector<576xi32>
    %add3A_42 = arith.constant 128 : i32
    %add3A_43 = vector.broadcast %add3A_42 : i32 to vector<576xi32>
    %add3A_44 = arith.addi %reduce_min3A_41, %add3A_43 : vector<576xi32>
    %lt3A = arith.cmpf olt, %broadcast_in_dim3A_34, %broadcast_in_dim3A_18 : vector<1x576xf32>
    %squeeze3A = vector.shape_cast %lt3A : vector<1x576xi1> to vector<576xi1>
    %select_n3A_45 = arith.select %squeeze3A, %add3A_44, %add3A_25 : vector<576xi1>, vector<576xi32>
    %select_n3A_46 = arith.select %lt3A, %broadcast_in_dim3A_34, %broadcast_in_dim3A_18 : vector<1x576xi1>, vector<1x576xf32>
    %slice3A_47 = vector.extract_strided_slice %get3A_4 {offsets = [256, 0], sizes = [128, 1], strides = [1, 1]} : vector<1024x1xf32> to vector<128x1xf32>
    %add3A_48 = vector.broadcast %broadcast_in_dim3A_12 : vector<1x576xf32> to vector<128x576xf32>
    %add3A_49 = vector.broadcast %slice3A_47 : vector<128x1xf32> to vector<128x576xf32>
    %add3A_50 = arith.addf %add3A_48, %add3A_49 : vector<128x576xf32>
    %slice3A_51 = vector.extract_strided_slice %dot_general3A_13 {offsets = [256, 0], sizes = [128, 576], strides = [1, 1]} : vector<1024x576xf32> to vector<128x576xf32>
    %sub3A_52 = arith.subf %add3A_50, %slice3A_51 : vector<128x576xf32>
    %reduce_min3A_53 = arith.constant dense<0x7F800000> : vector<576xf32>
    %reduce_min3A_54 = vector.multi_reduction <minimumf>, %sub3A_52, %reduce_min3A_53 [0] : vector<128x576xf32> to vector<576xf32>
    %broadcast_in_dim3A_55 = vector.shape_cast %reduce_min3A_54 : vector<576xf32> to vector<1x576xf32>
    %eq3A_56 = vector.broadcast %broadcast_in_dim3A_55 : vector<1x576xf32> to vector<128x576xf32>
    %eq3A_57 = arith.cmpf oeq, %sub3A_52, %eq3A_56 : vector<128x576xf32>
    %jit3A_58 = arith.constant 128 : i32
    %broadcast_in_dim3A_59 = vector.broadcast %jit3A_58 : i32 to vector<128x576xi32>
    %select_n3A_60 = arith.select %eq3A_57, %iota3A, %broadcast_in_dim3A_59 : vector<128x576xi1>, vector<128x576xi32>
    %reduce_min3A_61 = arith.constant dense<2147483647> : vector<576xi32>
    %reduce_min3A_62 = vector.multi_reduction <minsi>, %select_n3A_60, %reduce_min3A_61 [0] : vector<128x576xi32> to vector<576xi32>
    %add3A_63 = arith.constant 256 : i32
    %add3A_64 = vector.broadcast %add3A_63 : i32 to vector<576xi32>
    %add3A_65 = arith.addi %reduce_min3A_62, %add3A_64 : vector<576xi32>
    %lt3A_66 = arith.cmpf olt, %broadcast_in_dim3A_55, %select_n3A_46 : vector<1x576xf32>
    %squeeze3A_67 = vector.shape_cast %lt3A_66 : vector<1x576xi1> to vector<576xi1>
    %select_n3A_68 = arith.select %squeeze3A_67, %add3A_65, %select_n3A_45 : vector<576xi1>, vector<576xi32>
    %select_n3A_69 = arith.select %lt3A_66, %broadcast_in_dim3A_55, %select_n3A_46 : vector<1x576xi1>, vector<1x576xf32>
    %slice3A_70 = vector.extract_strided_slice %get3A_4 {offsets = [384, 0], sizes = [128, 1], strides = [1, 1]} : vector<1024x1xf32> to vector<128x1xf32>
    %add3A_71 = vector.broadcast %broadcast_in_dim3A_12 : vector<1x576xf32> to vector<128x576xf32>
    %add3A_72 = vector.broadcast %slice3A_70 : vector<128x1xf32> to vector<128x576xf32>
    %add3A_73 = arith.addf %add3A_71, %add3A_72 : vector<128x576xf32>
    %slice3A_74 = vector.extract_strided_slice %dot_general3A_13 {offsets = [384, 0], sizes = [128, 576], strides = [1, 1]} : vector<1024x576xf32> to vector<128x576xf32>
    %sub3A_75 = arith.subf %add3A_73, %slice3A_74 : vector<128x576xf32>
    %reduce_min3A_76 = arith.constant dense<0x7F800000> : vector<576xf32>
    %reduce_min3A_77 = vector.multi_reduction <minimumf>, %sub3A_75, %reduce_min3A_76 [0] : vector<128x576xf32> to vector<576xf32>
    %broadcast_in_dim3A_78 = vector.shape_cast %reduce_min3A_77 : vector<576xf32> to vector<1x576xf32>
    %eq3A_79 = vector.broadcast %broadcast_in_dim3A_78 : vector<1x576xf32> to vector<128x576xf32>
    %eq3A_80 = arith.cmpf oeq, %sub3A_75, %eq3A_79 : vector<128x576xf32>
    %jit3A_81 = arith.constant 128 : i32
    %broadcast_in_dim3A_82 = vector.broadcast %jit3A_81 : i32 to vector<128x576xi32>
    %select_n3A_83 = arith.select %eq3A_80, %iota3A, %broadcast_in_dim3A_82 : vector<128x576xi1>, vector<128x576xi32>
    %reduce_min3A_84 = arith.constant dense<2147483647> : vector<576xi32>
    %reduce_min3A_85 = vector.multi_reduction <minsi>, %select_n3A_83, %reduce_min3A_84 [0] : vector<128x576xi32> to vector<576xi32>
    %add3A_86 = arith.constant 384 : i32
    %add3A_87 = vector.broadcast %add3A_86 : i32 to vector<576xi32>
    %add3A_88 = arith.addi %reduce_min3A_85, %add3A_87 : vector<576xi32>
    %lt3A_89 = arith.cmpf olt, %broadcast_in_dim3A_78, %select_n3A_69 : vector<1x576xf32>
    %squeeze3A_90 = vector.shape_cast %lt3A_89 : vector<1x576xi1> to vector<576xi1>
    %select_n3A_91 = arith.select %squeeze3A_90, %add3A_88, %select_n3A_68 : vector<576xi1>, vector<576xi32>
    %select_n3A_92 = arith.select %lt3A_89, %broadcast_in_dim3A_78, %select_n3A_69 : vector<1x576xi1>, vector<1x576xf32>
    %slice3A_93 = vector.extract_strided_slice %get3A_4 {offsets = [512, 0], sizes = [128, 1], strides = [1, 1]} : vector<1024x1xf32> to vector<128x1xf32>
    %add3A_94 = vector.broadcast %broadcast_in_dim3A_12 : vector<1x576xf32> to vector<128x576xf32>
    %add3A_95 = vector.broadcast %slice3A_93 : vector<128x1xf32> to vector<128x576xf32>
    %add3A_96 = arith.addf %add3A_94, %add3A_95 : vector<128x576xf32>
    %slice3A_97 = vector.extract_strided_slice %dot_general3A_13 {offsets = [512, 0], sizes = [128, 576], strides = [1, 1]} : vector<1024x576xf32> to vector<128x576xf32>
    %sub3A_98 = arith.subf %add3A_96, %slice3A_97 : vector<128x576xf32>
    %reduce_min3A_99 = arith.constant dense<0x7F800000> : vector<576xf32>
    %reduce_min3A_100 = vector.multi_reduction <minimumf>, %sub3A_98, %reduce_min3A_99 [0] : vector<128x576xf32> to vector<576xf32>
    %broadcast_in_dim3A_101 = vector.shape_cast %reduce_min3A_100 : vector<576xf32> to vector<1x576xf32>
    %eq3A_102 = vector.broadcast %broadcast_in_dim3A_101 : vector<1x576xf32> to vector<128x576xf32>
    %eq3A_103 = arith.cmpf oeq, %sub3A_98, %eq3A_102 : vector<128x576xf32>
    %jit3A_104 = arith.constant 128 : i32
    %broadcast_in_dim3A_105 = vector.broadcast %jit3A_104 : i32 to vector<128x576xi32>
    %select_n3A_106 = arith.select %eq3A_103, %iota3A, %broadcast_in_dim3A_105 : vector<128x576xi1>, vector<128x576xi32>
    %reduce_min3A_107 = arith.constant dense<2147483647> : vector<576xi32>
    %reduce_min3A_108 = vector.multi_reduction <minsi>, %select_n3A_106, %reduce_min3A_107 [0] : vector<128x576xi32> to vector<576xi32>
    %add3A_109 = arith.constant 512 : i32
    %add3A_110 = vector.broadcast %add3A_109 : i32 to vector<576xi32>
    %add3A_111 = arith.addi %reduce_min3A_108, %add3A_110 : vector<576xi32>
    %lt3A_112 = arith.cmpf olt, %broadcast_in_dim3A_101, %select_n3A_92 : vector<1x576xf32>
    %squeeze3A_113 = vector.shape_cast %lt3A_112 : vector<1x576xi1> to vector<576xi1>
    %select_n3A_114 = arith.select %squeeze3A_113, %add3A_111, %select_n3A_91 : vector<576xi1>, vector<576xi32>
    %select_n3A_115 = arith.select %lt3A_112, %broadcast_in_dim3A_101, %select_n3A_92 : vector<1x576xi1>, vector<1x576xf32>
    %slice3A_116 = vector.extract_strided_slice %get3A_4 {offsets = [640, 0], sizes = [128, 1], strides = [1, 1]} : vector<1024x1xf32> to vector<128x1xf32>
    %add3A_117 = vector.broadcast %broadcast_in_dim3A_12 : vector<1x576xf32> to vector<128x576xf32>
    %add3A_118 = vector.broadcast %slice3A_116 : vector<128x1xf32> to vector<128x576xf32>
    %add3A_119 = arith.addf %add3A_117, %add3A_118 : vector<128x576xf32>
    %slice3A_120 = vector.extract_strided_slice %dot_general3A_13 {offsets = [640, 0], sizes = [128, 576], strides = [1, 1]} : vector<1024x576xf32> to vector<128x576xf32>
    %sub3A_121 = arith.subf %add3A_119, %slice3A_120 : vector<128x576xf32>
    %reduce_min3A_122 = arith.constant dense<0x7F800000> : vector<576xf32>
    %reduce_min3A_123 = vector.multi_reduction <minimumf>, %sub3A_121, %reduce_min3A_122 [0] : vector<128x576xf32> to vector<576xf32>
    %broadcast_in_dim3A_124 = vector.shape_cast %reduce_min3A_123 : vector<576xf32> to vector<1x576xf32>
    %eq3A_125 = vector.broadcast %broadcast_in_dim3A_124 : vector<1x576xf32> to vector<128x576xf32>
    %eq3A_126 = arith.cmpf oeq, %sub3A_121, %eq3A_125 : vector<128x576xf32>
    %jit3A_127 = arith.constant 128 : i32
    %broadcast_in_dim3A_128 = vector.broadcast %jit3A_127 : i32 to vector<128x576xi32>
    %select_n3A_129 = arith.select %eq3A_126, %iota3A, %broadcast_in_dim3A_128 : vector<128x576xi1>, vector<128x576xi32>
    %reduce_min3A_130 = arith.constant dense<2147483647> : vector<576xi32>
    %reduce_min3A_131 = vector.multi_reduction <minsi>, %select_n3A_129, %reduce_min3A_130 [0] : vector<128x576xi32> to vector<576xi32>
    %add3A_132 = arith.constant 640 : i32
    %add3A_133 = vector.broadcast %add3A_132 : i32 to vector<576xi32>
    %add3A_134 = arith.addi %reduce_min3A_131, %add3A_133 : vector<576xi32>
    %lt3A_135 = arith.cmpf olt, %broadcast_in_dim3A_124, %select_n3A_115 : vector<1x576xf32>
    %squeeze3A_136 = vector.shape_cast %lt3A_135 : vector<1x576xi1> to vector<576xi1>
    %select_n3A_137 = arith.select %squeeze3A_136, %add3A_134, %select_n3A_114 : vector<576xi1>, vector<576xi32>
    %select_n3A_138 = arith.select %lt3A_135, %broadcast_in_dim3A_124, %select_n3A_115 : vector<1x576xi1>, vector<1x576xf32>
    %slice3A_139 = vector.extract_strided_slice %get3A_4 {offsets = [768, 0], sizes = [128, 1], strides = [1, 1]} : vector<1024x1xf32> to vector<128x1xf32>
    %add3A_140 = vector.broadcast %broadcast_in_dim3A_12 : vector<1x576xf32> to vector<128x576xf32>
    %add3A_141 = vector.broadcast %slice3A_139 : vector<128x1xf32> to vector<128x576xf32>
    %add3A_142 = arith.addf %add3A_140, %add3A_141 : vector<128x576xf32>
    %slice3A_143 = vector.extract_strided_slice %dot_general3A_13 {offsets = [768, 0], sizes = [128, 576], strides = [1, 1]} : vector<1024x576xf32> to vector<128x576xf32>
    %sub3A_144 = arith.subf %add3A_142, %slice3A_143 : vector<128x576xf32>
    %reduce_min3A_145 = arith.constant dense<0x7F800000> : vector<576xf32>
    %reduce_min3A_146 = vector.multi_reduction <minimumf>, %sub3A_144, %reduce_min3A_145 [0] : vector<128x576xf32> to vector<576xf32>
    %broadcast_in_dim3A_147 = vector.shape_cast %reduce_min3A_146 : vector<576xf32> to vector<1x576xf32>
    %eq3A_148 = vector.broadcast %broadcast_in_dim3A_147 : vector<1x576xf32> to vector<128x576xf32>
    %eq3A_149 = arith.cmpf oeq, %sub3A_144, %eq3A_148 : vector<128x576xf32>
    %jit3A_150 = arith.constant 128 : i32
    %broadcast_in_dim3A_151 = vector.broadcast %jit3A_150 : i32 to vector<128x576xi32>
    %select_n3A_152 = arith.select %eq3A_149, %iota3A, %broadcast_in_dim3A_151 : vector<128x576xi1>, vector<128x576xi32>
    %reduce_min3A_153 = arith.constant dense<2147483647> : vector<576xi32>
    %reduce_min3A_154 = vector.multi_reduction <minsi>, %select_n3A_152, %reduce_min3A_153 [0] : vector<128x576xi32> to vector<576xi32>
    %add3A_155 = arith.constant 768 : i32
    %add3A_156 = vector.broadcast %add3A_155 : i32 to vector<576xi32>
    %add3A_157 = arith.addi %reduce_min3A_154, %add3A_156 : vector<576xi32>
    %lt3A_158 = arith.cmpf olt, %broadcast_in_dim3A_147, %select_n3A_138 : vector<1x576xf32>
    %squeeze3A_159 = vector.shape_cast %lt3A_158 : vector<1x576xi1> to vector<576xi1>
    %select_n3A_160 = arith.select %squeeze3A_159, %add3A_157, %select_n3A_137 : vector<576xi1>, vector<576xi32>
    %select_n3A_161 = arith.select %lt3A_158, %broadcast_in_dim3A_147, %select_n3A_138 : vector<1x576xi1>, vector<1x576xf32>
    %slice3A_162 = vector.extract_strided_slice %get3A_4 {offsets = [896, 0], sizes = [128, 1], strides = [1, 1]} : vector<1024x1xf32> to vector<128x1xf32>
    %add3A_163 = vector.broadcast %broadcast_in_dim3A_12 : vector<1x576xf32> to vector<128x576xf32>
    %add3A_164 = vector.broadcast %slice3A_162 : vector<128x1xf32> to vector<128x576xf32>
    %add3A_165 = arith.addf %add3A_163, %add3A_164 : vector<128x576xf32>
    %slice3A_166 = vector.extract_strided_slice %dot_general3A_13 {offsets = [896, 0], sizes = [128, 576], strides = [1, 1]} : vector<1024x576xf32> to vector<128x576xf32>
    %sub3A_167 = arith.subf %add3A_165, %slice3A_166 : vector<128x576xf32>
    %reduce_min3A_168 = arith.constant dense<0x7F800000> : vector<576xf32>
    %reduce_min3A_169 = vector.multi_reduction <minimumf>, %sub3A_167, %reduce_min3A_168 [0] : vector<128x576xf32> to vector<576xf32>
    %broadcast_in_dim3A_170 = vector.shape_cast %reduce_min3A_169 : vector<576xf32> to vector<1x576xf32>
    %eq3A_171 = vector.broadcast %broadcast_in_dim3A_170 : vector<1x576xf32> to vector<128x576xf32>
    %eq3A_172 = arith.cmpf oeq, %sub3A_167, %eq3A_171 : vector<128x576xf32>
    %jit3A_173 = arith.constant 128 : i32
    %broadcast_in_dim3A_174 = vector.broadcast %jit3A_173 : i32 to vector<128x576xi32>
    %select_n3A_175 = arith.select %eq3A_172, %iota3A, %broadcast_in_dim3A_174 : vector<128x576xi1>, vector<128x576xi32>
    %reduce_min3A_176 = arith.constant dense<2147483647> : vector<576xi32>
    %reduce_min3A_177 = vector.multi_reduction <minsi>, %select_n3A_175, %reduce_min3A_176 [0] : vector<128x576xi32> to vector<576xi32>
    %add3A_178 = arith.constant 896 : i32
    %add3A_179 = vector.broadcast %add3A_178 : i32 to vector<576xi32>
    %add3A_180 = arith.addi %reduce_min3A_177, %add3A_179 : vector<576xi32>
    %lt3A_181 = arith.cmpf olt, %broadcast_in_dim3A_170, %select_n3A_161 : vector<1x576xf32>
    %squeeze3A_182 = vector.shape_cast %lt3A_181 : vector<1x576xi1> to vector<576xi1>
    %select_n3A_183 = arith.select %squeeze3A_182, %add3A_180, %select_n3A_160 : vector<576xi1>, vector<576xi32>
    %select_n3A_184 = arith.select %lt3A_181, %broadcast_in_dim3A_170, %select_n3A_161 : vector<1x576xi1>, vector<1x576xf32>
    %swap3A = arith.constant 0 : index
    %swap3A_185 = arith.constant 0 : index
    %swap3A_186 = arith.constant 0 : index
    %swap3A_187 = vector.load %arg4[%swap3A, %swap3A_185, %swap3A_186] : memref<1x8x576xi32, #tpu.memory_space<vmem>>, vector<1x1x576xi32>
    %swap3A_188 = vector.shape_cast %swap3A_187 : vector<1x1x576xi32> to vector<576xi32>
    %swap3A_189 = vector.shape_cast %select_n3A_183 : vector<576xi32> to vector<1x1x576xi32>
    tpu.vector_store %arg4[%swap3A, %swap3A_185, %swap3A_186], %swap3A_189 {strides = array<i32>} : memref<1x8x576xi32, #tpu.memory_space<vmem>>, vector<1x1x576xi32>,
    %reduce_sum3A_190 = vector.shape_cast %select_n3A_184 : vector<1x576xf32> to vector<1x1x576xf32>
    %reduce_sum3A_191 = arith.constant dense<0.000000e+00> : vector<1xf32>
    %reduce_sum3A_192 = vector.multi_reduction <add>, %reduce_sum3A_190, %reduce_sum3A_191 [1, 2] : vector<1x1x576xf32> to vector<1xf32>
    %reduce_sum3A_193 = vector.shape_cast %reduce_sum3A_192 : vector<1xf32> to vector<1x1x1xf32>
    %reduce_sum3A_194 = vector.extract %reduce_sum3A_193[0, 0, 0] : f32 from vector<1x1x1xf32>
    %reshape3A = vector.broadcast %reduce_sum3A_194 : f32 to vector<1x1xf32>
    %add3A_195 = arith.addf %broadcast_in_dim3A_5, %reshape3A : vector<1x1xf32>
    %get3A_196 = arith.constant 1 : index
    %get3A_197 = arith.constant 0 : index
    %get3A_198 = arith.constant 0 : index
    %get3A_199 = vector.load %arg1[%get3A_196, %get3A_197, %get3A_198] : memref<8x64x576xf32, #tpu.memory_space<vmem>>, vector<1x64x576xf32>
    %get3A_200 = vector.shape_cast %get3A_199 : vector<1x64x576xf32> to vector<64x576xf32>
    %mul3A_201 = arith.mulf %get3A_200, %get3A_200 : vector<64x576xf32>
    %reduce_sum3A_202 = arith.constant dense<0.000000e+00> : vector<576xf32>
    %reduce_sum3A_203 = vector.multi_reduction <add>, %mul3A_201, %reduce_sum3A_202 [0] : vector<64x576xf32> to vector<576xf32>
    %broadcast_in_dim3A_204 = vector.shape_cast %reduce_sum3A_203 : vector<576xf32> to vector<1x576xf32>
    %dot_general3A_205 = arith.constant dense<0.000000e+00> : vector<1024x576xf32>
    %dot_general3A_206 = tpu.matmul %get3A_1, %get3A_200, %dot_general3A_205 {dimension_numbers = #tpu.dot_dimension_numbers<[1], [0], [0], [1], [0, 0, 1, 1], [], []>, transpose_lhs_hint = false} : vector<1024x64xf32>, vector<64x576xf32>, vector<1024x576xf32> -> vector<1024x576xf32>
    %slice3A_207 = vector.extract_strided_slice %get3A_4 {offsets = [0, 0], sizes = [128, 1], strides = [1, 1]} : vector<1024x1xf32> to vector<128x1xf32>
    %add3A_208 = vector.broadcast %broadcast_in_dim3A_204 : vector<1x576xf32> to vector<128x576xf32>
    %add3A_209 = vector.broadcast %slice3A_207 : vector<128x1xf32> to vector<128x576xf32>
    %add3A_210 = arith.addf %add3A_208, %add3A_209 : vector<128x576xf32>
    %slice3A_211 = vector.extract_strided_slice %dot_general3A_206 {offsets = [0, 0], sizes = [128, 576], strides = [1, 1]} : vector<1024x576xf32> to vector<128x576xf32>
    %sub3A_212 = arith.subf %add3A_210, %slice3A_211 : vector<128x576xf32>
    %reduce_min3A_213 = arith.constant dense<0x7F800000> : vector<576xf32>
    %reduce_min3A_214 = vector.multi_reduction <minimumf>, %sub3A_212, %reduce_min3A_213 [0] : vector<128x576xf32> to vector<576xf32>
    %broadcast_in_dim3A_215 = vector.shape_cast %reduce_min3A_214 : vector<576xf32> to vector<1x576xf32>
    %eq3A_216 = vector.broadcast %broadcast_in_dim3A_215 : vector<1x576xf32> to vector<128x576xf32>
    %eq3A_217 = arith.cmpf oeq, %sub3A_212, %eq3A_216 : vector<128x576xf32>
    %jit3A_218 = arith.constant 128 : i32
    %broadcast_in_dim3A_219 = vector.broadcast %jit3A_218 : i32 to vector<128x576xi32>
    %select_n3A_220 = arith.select %eq3A_217, %iota3A, %broadcast_in_dim3A_219 : vector<128x576xi1>, vector<128x576xi32>
    %reduce_min3A_221 = arith.constant dense<2147483647> : vector<576xi32>
    %reduce_min3A_222 = vector.multi_reduction <minsi>, %select_n3A_220, %reduce_min3A_221 [0] : vector<128x576xi32> to vector<576xi32>
    %add3A_223 = arith.constant 0 : i32
    %add3A_224 = vector.broadcast %add3A_223 : i32 to vector<576xi32>
    %add3A_225 = arith.addi %reduce_min3A_222, %add3A_224 : vector<576xi32>
    %slice3A_226 = vector.extract_strided_slice %get3A_4 {offsets = [128, 0], sizes = [128, 1], strides = [1, 1]} : vector<1024x1xf32> to vector<128x1xf32>
    %add3A_227 = vector.broadcast %broadcast_in_dim3A_204 : vector<1x576xf32> to vector<128x576xf32>
    %add3A_228 = vector.broadcast %slice3A_226 : vector<128x1xf32> to vector<128x576xf32>
    %add3A_229 = arith.addf %add3A_227, %add3A_228 : vector<128x576xf32>
    %slice3A_230 = vector.extract_strided_slice %dot_general3A_206 {offsets = [128, 0], sizes = [128, 576], strides = [1, 1]} : vector<1024x576xf32> to vector<128x576xf32>
    %sub3A_231 = arith.subf %add3A_229, %slice3A_230 : vector<128x576xf32>
    %reduce_min3A_232 = arith.constant dense<0x7F800000> : vector<576xf32>
    %reduce_min3A_233 = vector.multi_reduction <minimumf>, %sub3A_231, %reduce_min3A_232 [0] : vector<128x576xf32> to vector<576xf32>
    %broadcast_in_dim3A_234 = vector.shape_cast %reduce_min3A_233 : vector<576xf32> to vector<1x576xf32>
    %eq3A_235 = vector.broadcast %broadcast_in_dim3A_234 : vector<1x576xf32> to vector<128x576xf32>
    %eq3A_236 = arith.cmpf oeq, %sub3A_231, %eq3A_235 : vector<128x576xf32>
    %jit3A_237 = arith.constant 128 : i32
    %broadcast_in_dim3A_238 = vector.broadcast %jit3A_237 : i32 to vector<128x576xi32>
    %select_n3A_239 = arith.select %eq3A_236, %iota3A, %broadcast_in_dim3A_238 : vector<128x576xi1>, vector<128x576xi32>
    %reduce_min3A_240 = arith.constant dense<2147483647> : vector<576xi32>
    %reduce_min3A_241 = vector.multi_reduction <minsi>, %select_n3A_239, %reduce_min3A_240 [0] : vector<128x576xi32> to vector<576xi32>
    %add3A_242 = arith.constant 128 : i32
    %add3A_243 = vector.broadcast %add3A_242 : i32 to vector<576xi32>
    %add3A_244 = arith.addi %reduce_min3A_241, %add3A_243 : vector<576xi32>
    %lt3A_245 = arith.cmpf olt, %broadcast_in_dim3A_234, %broadcast_in_dim3A_215 : vector<1x576xf32>
    %squeeze3A_246 = vector.shape_cast %lt3A_245 : vector<1x576xi1> to vector<576xi1>
    %select_n3A_247 = arith.select %squeeze3A_246, %add3A_244, %add3A_225 : vector<576xi1>, vector<576xi32>
    %select_n3A_248 = arith.select %lt3A_245, %broadcast_in_dim3A_234, %broadcast_in_dim3A_215 : vector<1x576xi1>, vector<1x576xf32>
    %slice3A_249 = vector.extract_strided_slice %get3A_4 {offsets = [256, 0], sizes = [128, 1], strides = [1, 1]} : vector<1024x1xf32> to vector<128x1xf32>
    %add3A_250 = vector.broadcast %broadcast_in_dim3A_204 : vector<1x576xf32> to vector<128x576xf32>
    %add3A_251 = vector.broadcast %slice3A_249 : vector<128x1xf32> to vector<128x576xf32>
    %add3A_252 = arith.addf %add3A_250, %add3A_251 : vector<128x576xf32>
    %slice3A_253 = vector.extract_strided_slice %dot_general3A_206 {offsets = [256, 0], sizes = [128, 576], strides = [1, 1]} : vector<1024x576xf32> to vector<128x576xf32>
    %sub3A_254 = arith.subf %add3A_252, %slice3A_253 : vector<128x576xf32>
    %reduce_min3A_255 = arith.constant dense<0x7F800000> : vector<576xf32>
    %reduce_min3A_256 = vector.multi_reduction <minimumf>, %sub3A_254, %reduce_min3A_255 [0] : vector<128x576xf32> to vector<576xf32>
    %broadcast_in_dim3A_257 = vector.shape_cast %reduce_min3A_256 : vector<576xf32> to vector<1x576xf32>
    %eq3A_258 = vector.broadcast %broadcast_in_dim3A_257 : vector<1x576xf32> to vector<128x576xf32>
    %eq3A_259 = arith.cmpf oeq, %sub3A_254, %eq3A_258 : vector<128x576xf32>
    %jit3A_260 = arith.constant 128 : i32
    %broadcast_in_dim3A_261 = vector.broadcast %jit3A_260 : i32 to vector<128x576xi32>
    %select_n3A_262 = arith.select %eq3A_259, %iota3A, %broadcast_in_dim3A_261 : vector<128x576xi1>, vector<128x576xi32>
    %reduce_min3A_263 = arith.constant dense<2147483647> : vector<576xi32>
    %reduce_min3A_264 = vector.multi_reduction <minsi>, %select_n3A_262, %reduce_min3A_263 [0] : vector<128x576xi32> to vector<576xi32>
    %add3A_265 = arith.constant 256 : i32
    %add3A_266 = vector.broadcast %add3A_265 : i32 to vector<576xi32>
    %add3A_267 = arith.addi %reduce_min3A_264, %add3A_266 : vector<576xi32>
    %lt3A_268 = arith.cmpf olt, %broadcast_in_dim3A_257, %select_n3A_248 : vector<1x576xf32>
    %squeeze3A_269 = vector.shape_cast %lt3A_268 : vector<1x576xi1> to vector<576xi1>
    %select_n3A_270 = arith.select %squeeze3A_269, %add3A_267, %select_n3A_247 : vector<576xi1>, vector<576xi32>
    %select_n3A_271 = arith.select %lt3A_268, %broadcast_in_dim3A_257, %select_n3A_248 : vector<1x576xi1>, vector<1x576xf32>
    %slice3A_272 = vector.extract_strided_slice %get3A_4 {offsets = [384, 0], sizes = [128, 1], strides = [1, 1]} : vector<1024x1xf32> to vector<128x1xf32>
    %add3A_273 = vector.broadcast %broadcast_in_dim3A_204 : vector<1x576xf32> to vector<128x576xf32>
    %add3A_274 = vector.broadcast %slice3A_272 : vector<128x1xf32> to vector<128x576xf32>
    %add3A_275 = arith.addf %add3A_273, %add3A_274 : vector<128x576xf32>
    %slice3A_276 = vector.extract_strided_slice %dot_general3A_206 {offsets = [384, 0], sizes = [128, 576], strides = [1, 1]} : vector<1024x576xf32> to vector<128x576xf32>
    %sub3A_277 = arith.subf %add3A_275, %slice3A_276 : vector<128x576xf32>
    %reduce_min3A_278 = arith.constant dense<0x7F800000> : vector<576xf32>
    %reduce_min3A_279 = vector.multi_reduction <minimumf>, %sub3A_277, %reduce_min3A_278 [0] : vector<128x576xf32> to vector<576xf32>
    %broadcast_in_dim3A_280 = vector.shape_cast %reduce_min3A_279 : vector<576xf32> to vector<1x576xf32>
    %eq3A_281 = vector.broadcast %broadcast_in_dim3A_280 : vector<1x576xf32> to vector<128x576xf32>
    %eq3A_282 = arith.cmpf oeq, %sub3A_277, %eq3A_281 : vector<128x576xf32>
    %jit3A_283 = arith.constant 128 : i32
    %broadcast_in_dim3A_284 = vector.broadcast %jit3A_283 : i32 to vector<128x576xi32>
    %select_n3A_285 = arith.select %eq3A_282, %iota3A, %broadcast_in_dim3A_284 : vector<128x576xi1>, vector<128x576xi32>
    %reduce_min3A_286 = arith.constant dense<2147483647> : vector<576xi32>
    %reduce_min3A_287 = vector.multi_reduction <minsi>, %select_n3A_285, %reduce_min3A_286 [0] : vector<128x576xi32> to vector<576xi32>
    %add3A_288 = arith.constant 384 : i32
    %add3A_289 = vector.broadcast %add3A_288 : i32 to vector<576xi32>
    %add3A_290 = arith.addi %reduce_min3A_287, %add3A_289 : vector<576xi32>
    %lt3A_291 = arith.cmpf olt, %broadcast_in_dim3A_280, %select_n3A_271 : vector<1x576xf32>
    %squeeze3A_292 = vector.shape_cast %lt3A_291 : vector<1x576xi1> to vector<576xi1>
    %select_n3A_293 = arith.select %squeeze3A_292, %add3A_290, %select_n3A_270 : vector<576xi1>, vector<576xi32>
    %select_n3A_294 = arith.select %lt3A_291, %broadcast_in_dim3A_280, %select_n3A_271 : vector<1x576xi1>, vector<1x576xf32>
    %slice3A_295 = vector.extract_strided_slice %get3A_4 {offsets = [512, 0], sizes = [128, 1], strides = [1, 1]} : vector<1024x1xf32> to vector<128x1xf32>
    %add3A_296 = vector.broadcast %broadcast_in_dim3A_204 : vector<1x576xf32> to vector<128x576xf32>
    %add3A_297 = vector.broadcast %slice3A_295 : vector<128x1xf32> to vector<128x576xf32>
    %add3A_298 = arith.addf %add3A_296, %add3A_297 : vector<128x576xf32>
    %slice3A_299 = vector.extract_strided_slice %dot_general3A_206 {offsets = [512, 0], sizes = [128, 576], strides = [1, 1]} : vector<1024x576xf32> to vector<128x576xf32>
    %sub3A_300 = arith.subf %add3A_298, %slice3A_299 : vector<128x576xf32>
    %reduce_min3A_301 = arith.constant dense<0x7F800000> : vector<576xf32>
    %reduce_min3A_302 = vector.multi_reduction <minimumf>, %sub3A_300, %reduce_min3A_301 [0] : vector<128x576xf32> to vector<576xf32>
    %broadcast_in_dim3A_303 = vector.shape_cast %reduce_min3A_302 : vector<576xf32> to vector<1x576xf32>
    %eq3A_304 = vector.broadcast %broadcast_in_dim3A_303 : vector<1x576xf32> to vector<128x576xf32>
    %eq3A_305 = arith.cmpf oeq, %sub3A_300, %eq3A_304 : vector<128x576xf32>
    %jit3A_306 = arith.constant 128 : i32
    %broadcast_in_dim3A_307 = vector.broadcast %jit3A_306 : i32 to vector<128x576xi32>
    %select_n3A_308 = arith.select %eq3A_305, %iota3A, %broadcast_in_dim3A_307 : vector<128x576xi1>, vector<128x576xi32>
    %reduce_min3A_309 = arith.constant dense<2147483647> : vector<576xi32>
    %reduce_min3A_310 = vector.multi_reduction <minsi>, %select_n3A_308, %reduce_min3A_309 [0] : vector<128x576xi32> to vector<576xi32>
    %add3A_311 = arith.constant 512 : i32
    %add3A_312 = vector.broadcast %add3A_311 : i32 to vector<576xi32>
    %add3A_313 = arith.addi %reduce_min3A_310, %add3A_312 : vector<576xi32>
    %lt3A_314 = arith.cmpf olt, %broadcast_in_dim3A_303, %select_n3A_294 : vector<1x576xf32>
    %squeeze3A_315 = vector.shape_cast %lt3A_314 : vector<1x576xi1> to vector<576xi1>
    %select_n3A_316 = arith.select %squeeze3A_315, %add3A_313, %select_n3A_293 : vector<576xi1>, vector<576xi32>
    %select_n3A_317 = arith.select %lt3A_314, %broadcast_in_dim3A_303, %select_n3A_294 : vector<1x576xi1>, vector<1x576xf32>
    %slice3A_318 = vector.extract_strided_slice %get3A_4 {offsets = [640, 0], sizes = [128, 1], strides = [1, 1]} : vector<1024x1xf32> to vector<128x1xf32>
    %add3A_319 = vector.broadcast %broadcast_in_dim3A_204 : vector<1x576xf32> to vector<128x576xf32>
    %add3A_320 = vector.broadcast %slice3A_318 : vector<128x1xf32> to vector<128x576xf32>
    %add3A_321 = arith.addf %add3A_319, %add3A_320 : vector<128x576xf32>
    %slice3A_322 = vector.extract_strided_slice %dot_general3A_206 {offsets = [640, 0], sizes = [128, 576], strides = [1, 1]} : vector<1024x576xf32> to vector<128x576xf32>
    %sub3A_323 = arith.subf %add3A_321, %slice3A_322 : vector<128x576xf32>
    %reduce_min3A_324 = arith.constant dense<0x7F800000> : vector<576xf32>
    %reduce_min3A_325 = vector.multi_reduction <minimumf>, %sub3A_323, %reduce_min3A_324 [0] : vector<128x576xf32> to vector<576xf32>
    %broadcast_in_dim3A_326 = vector.shape_cast %reduce_min3A_325 : vector<576xf32> to vector<1x576xf32>
    %eq3A_327 = vector.broadcast %broadcast_in_dim3A_326 : vector<1x576xf32> to vector<128x576xf32>
    %eq3A_328 = arith.cmpf oeq, %sub3A_323, %eq3A_327 : vector<128x576xf32>
    %jit3A_329 = arith.constant 128 : i32
    %broadcast_in_dim3A_330 = vector.broadcast %jit3A_329 : i32 to vector<128x576xi32>
    %select_n3A_331 = arith.select %eq3A_328, %iota3A, %broadcast_in_dim3A_330 : vector<128x576xi1>, vector<128x576xi32>
    %reduce_min3A_332 = arith.constant dense<2147483647> : vector<576xi32>
    %reduce_min3A_333 = vector.multi_reduction <minsi>, %select_n3A_331, %reduce_min3A_332 [0] : vector<128x576xi32> to vector<576xi32>
    %add3A_334 = arith.constant 640 : i32
    %add3A_335 = vector.broadcast %add3A_334 : i32 to vector<576xi32>
    %add3A_336 = arith.addi %reduce_min3A_333, %add3A_335 : vector<576xi32>
    %lt3A_337 = arith.cmpf olt, %broadcast_in_dim3A_326, %select_n3A_317 : vector<1x576xf32>
    %squeeze3A_338 = vector.shape_cast %lt3A_337 : vector<1x576xi1> to vector<576xi1>
    %select_n3A_339 = arith.select %squeeze3A_338, %add3A_336, %select_n3A_316 : vector<576xi1>, vector<576xi32>
    %select_n3A_340 = arith.select %lt3A_337, %broadcast_in_dim3A_326, %select_n3A_317 : vector<1x576xi1>, vector<1x576xf32>
    %slice3A_341 = vector.extract_strided_slice %get3A_4 {offsets = [768, 0], sizes = [128, 1], strides = [1, 1]} : vector<1024x1xf32> to vector<128x1xf32>
    %add3A_342 = vector.broadcast %broadcast_in_dim3A_204 : vector<1x576xf32> to vector<128x576xf32>
    %add3A_343 = vector.broadcast %slice3A_341 : vector<128x1xf32> to vector<128x576xf32>
    %add3A_344 = arith.addf %add3A_342, %add3A_343 : vector<128x576xf32>
    %slice3A_345 = vector.extract_strided_slice %dot_general3A_206 {offsets = [768, 0], sizes = [128, 576], strides = [1, 1]} : vector<1024x576xf32> to vector<128x576xf32>
    %sub3A_346 = arith.subf %add3A_344, %slice3A_345 : vector<128x576xf32>
    %reduce_min3A_347 = arith.constant dense<0x7F800000> : vector<576xf32>
    %reduce_min3A_348 = vector.multi_reduction <minimumf>, %sub3A_346, %reduce_min3A_347 [0] : vector<128x576xf32> to vector<576xf32>
    %broadcast_in_dim3A_349 = vector.shape_cast %reduce_min3A_348 : vector<576xf32> to vector<1x576xf32>
    %eq3A_350 = vector.broadcast %broadcast_in_dim3A_349 : vector<1x576xf32> to vector<128x576xf32>
    %eq3A_351 = arith.cmpf oeq, %sub3A_346, %eq3A_350 : vector<128x576xf32>
    %jit3A_352 = arith.constant 128 : i32
    %broadcast_in_dim3A_353 = vector.broadcast %jit3A_352 : i32 to vector<128x576xi32>
    %select_n3A_354 = arith.select %eq3A_351, %iota3A, %broadcast_in_dim3A_353 : vector<128x576xi1>, vector<128x576xi32>
    %reduce_min3A_355 = arith.constant dense<2147483647> : vector<576xi32>
    %reduce_min3A_356 = vector.multi_reduction <minsi>, %select_n3A_354, %reduce_min3A_355 [0] : vector<128x576xi32> to vector<576xi32>
    %add3A_357 = arith.constant 768 : i32
    %add3A_358 = vector.broadcast %add3A_357 : i32 to vector<576xi32>
    %add3A_359 = arith.addi %reduce_min3A_356, %add3A_358 : vector<576xi32>
    %lt3A_360 = arith.cmpf olt, %broadcast_in_dim3A_349, %select_n3A_340 : vector<1x576xf32>
    %squeeze3A_361 = vector.shape_cast %lt3A_360 : vector<1x576xi1> to vector<576xi1>
    %select_n3A_362 = arith.select %squeeze3A_361, %add3A_359, %select_n3A_339 : vector<576xi1>, vector<576xi32>
    %select_n3A_363 = arith.select %lt3A_360, %broadcast_in_dim3A_349, %select_n3A_340 : vector<1x576xi1>, vector<1x576xf32>
    %slice3A_364 = vector.extract_strided_slice %get3A_4 {offsets = [896, 0], sizes = [128, 1], strides = [1, 1]} : vector<1024x1xf32> to vector<128x1xf32>
    %add3A_365 = vector.broadcast %broadcast_in_dim3A_204 : vector<1x576xf32> to vector<128x576xf32>
    %add3A_366 = vector.broadcast %slice3A_364 : vector<128x1xf32> to vector<128x576xf32>
    %add3A_367 = arith.addf %add3A_365, %add3A_366 : vector<128x576xf32>
    %slice3A_368 = vector.extract_strided_slice %dot_general3A_206 {offsets = [896, 0], sizes = [128, 576], strides = [1, 1]} : vector<1024x576xf32> to vector<128x576xf32>
    %sub3A_369 = arith.subf %add3A_367, %slice3A_368 : vector<128x576xf32>
    %reduce_min3A_370 = arith.constant dense<0x7F800000> : vector<576xf32>
    %reduce_min3A_371 = vector.multi_reduction <minimumf>, %sub3A_369, %reduce_min3A_370 [0] : vector<128x576xf32> to vector<576xf32>
    %broadcast_in_dim3A_372 = vector.shape_cast %reduce_min3A_371 : vector<576xf32> to vector<1x576xf32>
    %eq3A_373 = vector.broadcast %broadcast_in_dim3A_372 : vector<1x576xf32> to vector<128x576xf32>
    %eq3A_374 = arith.cmpf oeq, %sub3A_369, %eq3A_373 : vector<128x576xf32>
    %jit3A_375 = arith.constant 128 : i32
    %broadcast_in_dim3A_376 = vector.broadcast %jit3A_375 : i32 to vector<128x576xi32>
    %select_n3A_377 = arith.select %eq3A_374, %iota3A, %broadcast_in_dim3A_376 : vector<128x576xi1>, vector<128x576xi32>
    %reduce_min3A_378 = arith.constant dense<2147483647> : vector<576xi32>
    %reduce_min3A_379 = vector.multi_reduction <minsi>, %select_n3A_377, %reduce_min3A_378 [0] : vector<128x576xi32> to vector<576xi32>
    %add3A_380 = arith.constant 896 : i32
    %add3A_381 = vector.broadcast %add3A_380 : i32 to vector<576xi32>
    %add3A_382 = arith.addi %reduce_min3A_379, %add3A_381 : vector<576xi32>
    %lt3A_383 = arith.cmpf olt, %broadcast_in_dim3A_372, %select_n3A_363 : vector<1x576xf32>
    %squeeze3A_384 = vector.shape_cast %lt3A_383 : vector<1x576xi1> to vector<576xi1>
    %select_n3A_385 = arith.select %squeeze3A_384, %add3A_382, %select_n3A_362 : vector<576xi1>, vector<576xi32>
    %select_n3A_386 = arith.select %lt3A_383, %broadcast_in_dim3A_372, %select_n3A_363 : vector<1x576xi1>, vector<1x576xf32>
    %swap3A_387 = arith.constant 0 : index
    %swap3A_388 = arith.constant 1 : index
    %swap3A_389 = arith.constant 0 : index
    %swap3A_390 = vector.load %arg4[%swap3A_387, %swap3A_388, %swap3A_389] : memref<1x8x576xi32, #tpu.memory_space<vmem>>, vector<1x1x576xi32>
    %swap3A_391 = vector.shape_cast %swap3A_390 : vector<1x1x576xi32> to vector<576xi32>
    %swap3A_392 = vector.shape_cast %select_n3A_385 : vector<576xi32> to vector<1x1x576xi32>
    tpu.vector_store %arg4[%swap3A_387, %swap3A_388, %swap3A_389], %swap3A_392 {strides = array<i32>} : memref<1x8x576xi32, #tpu.memory_space<vmem>>, vector<1x1x576xi32>,
    %reduce_sum3A_393 = vector.shape_cast %select_n3A_386 : vector<1x576xf32> to vector<1x1x576xf32>
    %reduce_sum3A_394 = arith.constant dense<0.000000e+00> : vector<1xf32>
    %reduce_sum3A_395 = vector.multi_reduction <add>, %reduce_sum3A_393, %reduce_sum3A_394 [1, 2] : vector<1x1x576xf32> to vector<1xf32>
    %reduce_sum3A_396 = vector.shape_cast %reduce_sum3A_395 : vector<1xf32> to vector<1x1x1xf32>
    %reduce_sum3A_397 = vector.extract %reduce_sum3A_396[0, 0, 0] : f32 from vector<1x1x1xf32>
    %reshape3A_398 = vector.broadcast %reduce_sum3A_397 : f32 to vector<1x1xf32>
    %add3A_399 = arith.addf %add3A_195, %reshape3A_398 : vector<1x1xf32>
    %get3A_400 = arith.constant 2 : index
    %get3A_401 = arith.constant 0 : index
    %get3A_402 = arith.constant 0 : index
    %get3A_403 = vector.load %arg1[%get3A_400, %get3A_401, %get3A_402] : memref<8x64x576xf32, #tpu.memory_space<vmem>>, vector<1x64x576xf32>
    %get3A_404 = vector.shape_cast %get3A_403 : vector<1x64x576xf32> to vector<64x576xf32>
    %mul3A_405 = arith.mulf %get3A_404, %get3A_404 : vector<64x576xf32>
    %reduce_sum3A_406 = arith.constant dense<0.000000e+00> : vector<576xf32>
    %reduce_sum3A_407 = vector.multi_reduction <add>, %mul3A_405, %reduce_sum3A_406 [0] : vector<64x576xf32> to vector<576xf32>
    %broadcast_in_dim3A_408 = vector.shape_cast %reduce_sum3A_407 : vector<576xf32> to vector<1x576xf32>
    %dot_general3A_409 = arith.constant dense<0.000000e+00> : vector<1024x576xf32>
    %dot_general3A_410 = tpu.matmul %get3A_1, %get3A_404, %dot_general3A_409 {dimension_numbers = #tpu.dot_dimension_numbers<[1], [0], [0], [1], [0, 0, 1, 1], [], []>, transpose_lhs_hint = false} : vector<1024x64xf32>, vector<64x576xf32>, vector<1024x576xf32> -> vector<1024x576xf32>
    %slice3A_411 = vector.extract_strided_slice %get3A_4 {offsets = [0, 0], sizes = [128, 1], strides = [1, 1]} : vector<1024x1xf32> to vector<128x1xf32>
    %add3A_412 = vector.broadcast %broadcast_in_dim3A_408 : vector<1x576xf32> to vector<128x576xf32>
    %add3A_413 = vector.broadcast %slice3A_411 : vector<128x1xf32> to vector<128x576xf32>
    %add3A_414 = arith.addf %add3A_412, %add3A_413 : vector<128x576xf32>
    %slice3A_415 = vector.extract_strided_slice %dot_general3A_410 {offsets = [0, 0], sizes = [128, 576], strides = [1, 1]} : vector<1024x576xf32> to vector<128x576xf32>
    %sub3A_416 = arith.subf %add3A_414, %slice3A_415 : vector<128x576xf32>
    %reduce_min3A_417 = arith.constant dense<0x7F800000> : vector<576xf32>
    %reduce_min3A_418 = vector.multi_reduction <minimumf>, %sub3A_416, %reduce_min3A_417 [0] : vector<128x576xf32> to vector<576xf32>
    %broadcast_in_dim3A_419 = vector.shape_cast %reduce_min3A_418 : vector<576xf32> to vector<1x576xf32>
    %eq3A_420 = vector.broadcast %broadcast_in_dim3A_419 : vector<1x576xf32> to vector<128x576xf32>
    %eq3A_421 = arith.cmpf oeq, %sub3A_416, %eq3A_420 : vector<128x576xf32>
    %jit3A_422 = arith.constant 128 : i32
    %broadcast_in_dim3A_423 = vector.broadcast %jit3A_422 : i32 to vector<128x576xi32>
    %select_n3A_424 = arith.select %eq3A_421, %iota3A, %broadcast_in_dim3A_423 : vector<128x576xi1>, vector<128x576xi32>
    %reduce_min3A_425 = arith.constant dense<2147483647> : vector<576xi32>
    %reduce_min3A_426 = vector.multi_reduction <minsi>, %select_n3A_424, %reduce_min3A_425 [0] : vector<128x576xi32> to vector<576xi32>
    %add3A_427 = arith.constant 0 : i32
    %add3A_428 = vector.broadcast %add3A_427 : i32 to vector<576xi32>
    %add3A_429 = arith.addi %reduce_min3A_426, %add3A_428 : vector<576xi32>
    %slice3A_430 = vector.extract_strided_slice %get3A_4 {offsets = [128, 0], sizes = [128, 1], strides = [1, 1]} : vector<1024x1xf32> to vector<128x1xf32>
    %add3A_431 = vector.broadcast %broadcast_in_dim3A_408 : vector<1x576xf32> to vector<128x576xf32>
    %add3A_432 = vector.broadcast %slice3A_430 : vector<128x1xf32> to vector<128x576xf32>
    %add3A_433 = arith.addf %add3A_431, %add3A_432 : vector<128x576xf32>
    %slice3A_434 = vector.extract_strided_slice %dot_general3A_410 {offsets = [128, 0], sizes = [128, 576], strides = [1, 1]} : vector<1024x576xf32> to vector<128x576xf32>
    %sub3A_435 = arith.subf %add3A_433, %slice3A_434 : vector<128x576xf32>
    %reduce_min3A_436 = arith.constant dense<0x7F800000> : vector<576xf32>
    %reduce_min3A_437 = vector.multi_reduction <minimumf>, %sub3A_435, %reduce_min3A_436 [0] : vector<128x576xf32> to vector<576xf32>
    %broadcast_in_dim3A_438 = vector.shape_cast %reduce_min3A_437 : vector<576xf32> to vector<1x576xf32>
    %eq3A_439 = vector.broadcast %broadcast_in_dim3A_438 : vector<1x576xf32> to vector<128x576xf32>
    %eq3A_440 = arith.cmpf oeq, %sub3A_435, %eq3A_439 : vector<128x576xf32>
    %jit3A_441 = arith.constant 128 : i32
    %broadcast_in_dim3A_442 = vector.broadcast %jit3A_441 : i32 to vector<128x576xi32>
    %select_n3A_443 = arith.select %eq3A_440, %iota3A, %broadcast_in_dim3A_442 : vector<128x576xi1>, vector<128x576xi32>
    %reduce_min3A_444 = arith.constant dense<2147483647> : vector<576xi32>
    %reduce_min3A_445 = vector.multi_reduction <minsi>, %select_n3A_443, %reduce_min3A_444 [0] : vector<128x576xi32> to vector<576xi32>
    %add3A_446 = arith.constant 128 : i32
    %add3A_447 = vector.broadcast %add3A_446 : i32 to vector<576xi32>
    %add3A_448 = arith.addi %reduce_min3A_445, %add3A_447 : vector<576xi32>
    %lt3A_449 = arith.cmpf olt, %broadcast_in_dim3A_438, %broadcast_in_dim3A_419 : vector<1x576xf32>
    %squeeze3A_450 = vector.shape_cast %lt3A_449 : vector<1x576xi1> to vector<576xi1>
    %select_n3A_451 = arith.select %squeeze3A_450, %add3A_448, %add3A_429 : vector<576xi1>, vector<576xi32>
    %select_n3A_452 = arith.select %lt3A_449, %broadcast_in_dim3A_438, %broadcast_in_dim3A_419 : vector<1x576xi1>, vector<1x576xf32>
    %slice3A_453 = vector.extract_strided_slice %get3A_4 {offsets = [256, 0], sizes = [128, 1], strides = [1, 1]} : vector<1024x1xf32> to vector<128x1xf32>
    %add3A_454 = vector.broadcast %broadcast_in_dim3A_408 : vector<1x576xf32> to vector<128x576xf32>
    %add3A_455 = vector.broadcast %slice3A_453 : vector<128x1xf32> to vector<128x576xf32>
    %add3A_456 = arith.addf %add3A_454, %add3A_455 : vector<128x576xf32>
    %slice3A_457 = vector.extract_strided_slice %dot_general3A_410 {offsets = [256, 0], sizes = [128, 576], strides = [1, 1]} : vector<1024x576xf32> to vector<128x576xf32>
    %sub3A_458 = arith.subf %add3A_456, %slice3A_457 : vector<128x576xf32>
    %reduce_min3A_459 = arith.constant dense<0x7F800000> : vector<576xf32>
    %reduce_min3A_460 = vector.multi_reduction <minimumf>, %sub3A_458, %reduce_min3A_459 [0] : vector<128x576xf32> to vector<576xf32>
    %broadcast_in_dim3A_461 = vector.shape_cast %reduce_min3A_460 : vector<576xf32> to vector<1x576xf32>
    %eq3A_462 = vector.broadcast %broadcast_in_dim3A_461 : vector<1x576xf32> to vector<128x576xf32>
    %eq3A_463 = arith.cmpf oeq, %sub3A_458, %eq3A_462 : vector<128x576xf32>
    %jit3A_464 = arith.constant 128 : i32
    %broadcast_in_dim3A_465 = vector.broadcast %jit3A_464 : i32 to vector<128x576xi32>
    %select_n3A_466 = arith.select %eq3A_463, %iota3A, %broadcast_in_dim3A_465 : vector<128x576xi1>, vector<128x576xi32>
    %reduce_min3A_467 = arith.constant dense<2147483647> : vector<576xi32>
    %reduce_min3A_468 = vector.multi_reduction <minsi>, %select_n3A_466, %reduce_min3A_467 [0] : vector<128x576xi32> to vector<576xi32>
    %add3A_469 = arith.constant 256 : i32
    %add3A_470 = vector.broadcast %add3A_469 : i32 to vector<576xi32>
    %add3A_471 = arith.addi %reduce_min3A_468, %add3A_470 : vector<576xi32>
    %lt3A_472 = arith.cmpf olt, %broadcast_in_dim3A_461, %select_n3A_452 : vector<1x576xf32>
    %squeeze3A_473 = vector.shape_cast %lt3A_472 : vector<1x576xi1> to vector<576xi1>
    %select_n3A_474 = arith.select %squeeze3A_473, %add3A_471, %select_n3A_451 : vector<576xi1>, vector<576xi32>
    %select_n3A_475 = arith.select %lt3A_472, %broadcast_in_dim3A_461, %select_n3A_452 : vector<1x576xi1>, vector<1x576xf32>
    %slice3A_476 = vector.extract_strided_slice %get3A_4 {offsets = [384, 0], sizes = [128, 1], strides = [1, 1]} : vector<1024x1xf32> to vector<128x1xf32>
    %add3A_477 = vector.broadcast %broadcast_in_dim3A_408 : vector<1x576xf32> to vector<128x576xf32>
    %add3A_478 = vector.broadcast %slice3A_476 : vector<128x1xf32> to vector<128x576xf32>
    %add3A_479 = arith.addf %add3A_477, %add3A_478 : vector<128x576xf32>
    %slice3A_480 = vector.extract_strided_slice %dot_general3A_410 {offsets = [384, 0], sizes = [128, 576], strides = [1, 1]} : vector<1024x576xf32> to vector<128x576xf32>
    %sub3A_481 = arith.subf %add3A_479, %slice3A_480 : vector<128x576xf32>
    %reduce_min3A_482 = arith.constant dense<0x7F800000> : vector<576xf32>
    %reduce_min3A_483 = vector.multi_reduction <minimumf>, %sub3A_481, %reduce_min3A_482 [0] : vector<128x576xf32> to vector<576xf32>
    %broadcast_in_dim3A_484 = vector.shape_cast %reduce_min3A_483 : vector<576xf32> to vector<1x576xf32>
    %eq3A_485 = vector.broadcast %broadcast_in_dim3A_484 : vector<1x576xf32> to vector<128x576xf32>
    %eq3A_486 = arith.cmpf oeq, %sub3A_481, %eq3A_485 : vector<128x576xf32>
    %jit3A_487 = arith.constant 128 : i32
    %broadcast_in_dim3A_488 = vector.broadcast %jit3A_487 : i32 to vector<128x576xi32>
    %select_n3A_489 = arith.select %eq3A_486, %iota3A, %broadcast_in_dim3A_488 : vector<128x576xi1>, vector<128x576xi32>
    %reduce_min3A_490 = arith.constant dense<2147483647> : vector<576xi32>
    %reduce_min3A_491 = vector.multi_reduction <minsi>, %select_n3A_489, %reduce_min3A_490 [0] : vector<128x576xi32> to vector<576xi32>
    %add3A_492 = arith.constant 384 : i32
    %add3A_493 = vector.broadcast %add3A_492 : i32 to vector<576xi32>
    %add3A_494 = arith.addi %reduce_min3A_491, %add3A_493 : vector<576xi32>
    %lt3A_495 = arith.cmpf olt, %broadcast_in_dim3A_484, %select_n3A_475 : vector<1x576xf32>
    %squeeze3A_496 = vector.shape_cast %lt3A_495 : vector<1x576xi1> to vector<576xi1>
    %select_n3A_497 = arith.select %squeeze3A_496, %add3A_494, %select_n3A_474 : vector<576xi1>, vector<576xi32>
    %select_n3A_498 = arith.select %lt3A_495, %broadcast_in_dim3A_484, %select_n3A_475 : vector<1x576xi1>, vector<1x576xf32>
    %slice3A_499 = vector.extract_strided_slice %get3A_4 {offsets = [512, 0], sizes = [128, 1], strides = [1, 1]} : vector<1024x1xf32> to vector<128x1xf32>
    %add3A_500 = vector.broadcast %broadcast_in_dim3A_408 : vector<1x576xf32> to vector<128x576xf32>
    %add3A_501 = vector.broadcast %slice3A_499 : vector<128x1xf32> to vector<128x576xf32>
    %add3A_502 = arith.addf %add3A_500, %add3A_501 : vector<128x576xf32>
    %slice3A_503 = vector.extract_strided_slice %dot_general3A_410 {offsets = [512, 0], sizes = [128, 576], strides = [1, 1]} : vector<1024x576xf32> to vector<128x576xf32>
    %sub3A_504 = arith.subf %add3A_502, %slice3A_503 : vector<128x576xf32>
    %reduce_min3A_505 = arith.constant dense<0x7F800000> : vector<576xf32>
    %reduce_min3A_506 = vector.multi_reduction <minimumf>, %sub3A_504, %reduce_min3A_505 [0] : vector<128x576xf32> to vector<576xf32>
    %broadcast_in_dim3A_507 = vector.shape_cast %reduce_min3A_506 : vector<576xf32> to vector<1x576xf32>
    %eq3A_508 = vector.broadcast %broadcast_in_dim3A_507 : vector<1x576xf32> to vector<128x576xf32>
    %eq3A_509 = arith.cmpf oeq, %sub3A_504, %eq3A_508 : vector<128x576xf32>
    %jit3A_510 = arith.constant 128 : i32
    %broadcast_in_dim3A_511 = vector.broadcast %jit3A_510 : i32 to vector<128x576xi32>
    %select_n3A_512 = arith.select %eq3A_509, %iota3A, %broadcast_in_dim3A_511 : vector<128x576xi1>, vector<128x576xi32>
    %reduce_min3A_513 = arith.constant dense<2147483647> : vector<576xi32>
    %reduce_min3A_514 = vector.multi_reduction <minsi>, %select_n3A_512, %reduce_min3A_513 [0] : vector<128x576xi32> to vector<576xi32>
    %add3A_515 = arith.constant 512 : i32
    %add3A_516 = vector.broadcast %add3A_515 : i32 to vector<576xi32>
    %add3A_517 = arith.addi %reduce_min3A_514, %add3A_516 : vector<576xi32>
    %lt3A_518 = arith.cmpf olt, %broadcast_in_dim3A_507, %select_n3A_498 : vector<1x576xf32>
    %squeeze3A_519 = vector.shape_cast %lt3A_518 : vector<1x576xi1> to vector<576xi1>
    %select_n3A_520 = arith.select %squeeze3A_519, %add3A_517, %select_n3A_497 : vector<576xi1>, vector<576xi32>
    %select_n3A_521 = arith.select %lt3A_518, %broadcast_in_dim3A_507, %select_n3A_498 : vector<1x576xi1>, vector<1x576xf32>
    %slice3A_522 = vector.extract_strided_slice %get3A_4 {offsets = [640, 0], sizes = [128, 1], strides = [1, 1]} : vector<1024x1xf32> to vector<128x1xf32>
    %add3A_523 = vector.broadcast %broadcast_in_dim3A_408 : vector<1x576xf32> to vector<128x576xf32>
    %add3A_524 = vector.broadcast %slice3A_522 : vector<128x1xf32> to vector<128x576xf32>
    %add3A_525 = arith.addf %add3A_523, %add3A_524 : vector<128x576xf32>
    %slice3A_526 = vector.extract_strided_slice %dot_general3A_410 {offsets = [640, 0], sizes = [128, 576], strides = [1, 1]} : vector<1024x576xf32> to vector<128x576xf32>
    %sub3A_527 = arith.subf %add3A_525, %slice3A_526 : vector<128x576xf32>
    %reduce_min3A_528 = arith.constant dense<0x7F800000> : vector<576xf32>
    %reduce_min3A_529 = vector.multi_reduction <minimumf>, %sub3A_527, %reduce_min3A_528 [0] : vector<128x576xf32> to vector<576xf32>
    %broadcast_in_dim3A_530 = vector.shape_cast %reduce_min3A_529 : vector<576xf32> to vector<1x576xf32>
    %eq3A_531 = vector.broadcast %broadcast_in_dim3A_530 : vector<1x576xf32> to vector<128x576xf32>
    %eq3A_532 = arith.cmpf oeq, %sub3A_527, %eq3A_531 : vector<128x576xf32>
    %jit3A_533 = arith.constant 128 : i32
    %broadcast_in_dim3A_534 = vector.broadcast %jit3A_533 : i32 to vector<128x576xi32>
    %select_n3A_535 = arith.select %eq3A_532, %iota3A, %broadcast_in_dim3A_534 : vector<128x576xi1>, vector<128x576xi32>
    %reduce_min3A_536 = arith.constant dense<2147483647> : vector<576xi32>
    %reduce_min3A_537 = vector.multi_reduction <minsi>, %select_n3A_535, %reduce_min3A_536 [0] : vector<128x576xi32> to vector<576xi32>
    %add3A_538 = arith.constant 640 : i32
    %add3A_539 = vector.broadcast %add3A_538 : i32 to vector<576xi32>
    %add3A_540 = arith.addi %reduce_min3A_537, %add3A_539 : vector<576xi32>
    %lt3A_541 = arith.cmpf olt, %broadcast_in_dim3A_530, %select_n3A_521 : vector<1x576xf32>
    %squeeze3A_542 = vector.shape_cast %lt3A_541 : vector<1x576xi1> to vector<576xi1>
    %select_n3A_543 = arith.select %squeeze3A_542, %add3A_540, %select_n3A_520 : vector<576xi1>, vector<576xi32>
    %select_n3A_544 = arith.select %lt3A_541, %broadcast_in_dim3A_530, %select_n3A_521 : vector<1x576xi1>, vector<1x576xf32>
    %slice3A_545 = vector.extract_strided_slice %get3A_4 {offsets = [768, 0], sizes = [128, 1], strides = [1, 1]} : vector<1024x1xf32> to vector<128x1xf32>
    %add3A_546 = vector.broadcast %broadcast_in_dim3A_408 : vector<1x576xf32> to vector<128x576xf32>
    %add3A_547 = vector.broadcast %slice3A_545 : vector<128x1xf32> to vector<128x576xf32>
    %add3A_548 = arith.addf %add3A_546, %add3A_547 : vector<128x576xf32>
    %slice3A_549 = vector.extract_strided_slice %dot_general3A_410 {offsets = [768, 0], sizes = [128, 576], strides = [1, 1]} : vector<1024x576xf32> to vector<128x576xf32>
    %sub3A_550 = arith.subf %add3A_548, %slice3A_549 : vector<128x576xf32>
    %reduce_min3A_551 = arith.constant dense<0x7F800000> : vector<576xf32>
    %reduce_min3A_552 = vector.multi_reduction <minimumf>, %sub3A_550, %reduce_min3A_551 [0] : vector<128x576xf32> to vector<576xf32>
    %broadcast_in_dim3A_553 = vector.shape_cast %reduce_min3A_552 : vector<576xf32> to vector<1x576xf32>
    %eq3A_554 = vector.broadcast %broadcast_in_dim3A_553 : vector<1x576xf32> to vector<128x576xf32>
    %eq3A_555 = arith.cmpf oeq, %sub3A_550, %eq3A_554 : vector<128x576xf32>
    %jit3A_556 = arith.constant 128 : i32
    %broadcast_in_dim3A_557 = vector.broadcast %jit3A_556 : i32 to vector<128x576xi32>
    %select_n3A_558 = arith.select %eq3A_555, %iota3A, %broadcast_in_dim3A_557 : vector<128x576xi1>, vector<128x576xi32>
    %reduce_min3A_559 = arith.constant dense<2147483647> : vector<576xi32>
    %reduce_min3A_560 = vector.multi_reduction <minsi>, %select_n3A_558, %reduce_min3A_559 [0] : vector<128x576xi32> to vector<576xi32>
    %add3A_561 = arith.constant 768 : i32
    %add3A_562 = vector.broadcast %add3A_561 : i32 to vector<576xi32>
    %add3A_563 = arith.addi %reduce_min3A_560, %add3A_562 : vector<576xi32>
    %lt3A_564 = arith.cmpf olt, %broadcast_in_dim3A_553, %select_n3A_544 : vector<1x576xf32>
    %squeeze3A_565 = vector.shape_cast %lt3A_564 : vector<1x576xi1> to vector<576xi1>
    %select_n3A_566 = arith.select %squeeze3A_565, %add3A_563, %select_n3A_543 : vector<576xi1>, vector<576xi32>
    %select_n3A_567 = arith.select %lt3A_564, %broadcast_in_dim3A_553, %select_n3A_544 : vector<1x576xi1>, vector<1x576xf32>
    %slice3A_568 = vector.extract_strided_slice %get3A_4 {offsets = [896, 0], sizes = [128, 1], strides = [1, 1]} : vector<1024x1xf32> to vector<128x1xf32>
    %add3A_569 = vector.broadcast %broadcast_in_dim3A_408 : vector<1x576xf32> to vector<128x576xf32>
    %add3A_570 = vector.broadcast %slice3A_568 : vector<128x1xf32> to vector<128x576xf32>
    %add3A_571 = arith.addf %add3A_569, %add3A_570 : vector<128x576xf32>
    %slice3A_572 = vector.extract_strided_slice %dot_general3A_410 {offsets = [896, 0], sizes = [128, 576], strides = [1, 1]} : vector<1024x576xf32> to vector<128x576xf32>
    %sub3A_573 = arith.subf %add3A_571, %slice3A_572 : vector<128x576xf32>
    %reduce_min3A_574 = arith.constant dense<0x7F800000> : vector<576xf32>
    %reduce_min3A_575 = vector.multi_reduction <minimumf>, %sub3A_573, %reduce_min3A_574 [0] : vector<128x576xf32> to vector<576xf32>
    %broadcast_in_dim3A_576 = vector.shape_cast %reduce_min3A_575 : vector<576xf32> to vector<1x576xf32>
    %eq3A_577 = vector.broadcast %broadcast_in_dim3A_576 : vector<1x576xf32> to vector<128x576xf32>
    %eq3A_578 = arith.cmpf oeq, %sub3A_573, %eq3A_577 : vector<128x576xf32>
    %jit3A_579 = arith.constant 128 : i32
    %broadcast_in_dim3A_580 = vector.broadcast %jit3A_579 : i32 to vector<128x576xi32>
    %select_n3A_581 = arith.select %eq3A_578, %iota3A, %broadcast_in_dim3A_580 : vector<128x576xi1>, vector<128x576xi32>
    %reduce_min3A_582 = arith.constant dense<2147483647> : vector<576xi32>
    %reduce_min3A_583 = vector.multi_reduction <minsi>, %select_n3A_581, %reduce_min3A_582 [0] : vector<128x576xi32> to vector<576xi32>
    %add3A_584 = arith.constant 896 : i32
    %add3A_585 = vector.broadcast %add3A_584 : i32 to vector<576xi32>
    %add3A_586 = arith.addi %reduce_min3A_583, %add3A_585 : vector<576xi32>
    %lt3A_587 = arith.cmpf olt, %broadcast_in_dim3A_576, %select_n3A_567 : vector<1x576xf32>
    %squeeze3A_588 = vector.shape_cast %lt3A_587 : vector<1x576xi1> to vector<576xi1>
    %select_n3A_589 = arith.select %squeeze3A_588, %add3A_586, %select_n3A_566 : vector<576xi1>, vector<576xi32>
    %select_n3A_590 = arith.select %lt3A_587, %broadcast_in_dim3A_576, %select_n3A_567 : vector<1x576xi1>, vector<1x576xf32>
    %swap3A_591 = arith.constant 0 : index
    %swap3A_592 = arith.constant 2 : index
    %swap3A_593 = arith.constant 0 : index
    %swap3A_594 = vector.load %arg4[%swap3A_591, %swap3A_592, %swap3A_593] : memref<1x8x576xi32, #tpu.memory_space<vmem>>, vector<1x1x576xi32>
    %swap3A_595 = vector.shape_cast %swap3A_594 : vector<1x1x576xi32> to vector<576xi32>
    %swap3A_596 = vector.shape_cast %select_n3A_589 : vector<576xi32> to vector<1x1x576xi32>
    tpu.vector_store %arg4[%swap3A_591, %swap3A_592, %swap3A_593], %swap3A_596 {strides = array<i32>} : memref<1x8x576xi32, #tpu.memory_space<vmem>>, vector<1x1x576xi32>,
    %reduce_sum3A_597 = vector.shape_cast %select_n3A_590 : vector<1x576xf32> to vector<1x1x576xf32>
    %reduce_sum3A_598 = arith.constant dense<0.000000e+00> : vector<1xf32>
    %reduce_sum3A_599 = vector.multi_reduction <add>, %reduce_sum3A_597, %reduce_sum3A_598 [1, 2] : vector<1x1x576xf32> to vector<1xf32>
    %reduce_sum3A_600 = vector.shape_cast %reduce_sum3A_599 : vector<1xf32> to vector<1x1x1xf32>
    %reduce_sum3A_601 = vector.extract %reduce_sum3A_600[0, 0, 0] : f32 from vector<1x1x1xf32>
    %reshape3A_602 = vector.broadcast %reduce_sum3A_601 : f32 to vector<1x1xf32>
    %add3A_603 = arith.addf %add3A_399, %reshape3A_602 : vector<1x1xf32>
    %get3A_604 = arith.constant 3 : index
    %get3A_605 = arith.constant 0 : index
    %get3A_606 = arith.constant 0 : index
    %get3A_607 = vector.load %arg1[%get3A_604, %get3A_605, %get3A_606] : memref<8x64x576xf32, #tpu.memory_space<vmem>>, vector<1x64x576xf32>
    %get3A_608 = vector.shape_cast %get3A_607 : vector<1x64x576xf32> to vector<64x576xf32>
    %mul3A_609 = arith.mulf %get3A_608, %get3A_608 : vector<64x576xf32>
    %reduce_sum3A_610 = arith.constant dense<0.000000e+00> : vector<576xf32>
    %reduce_sum3A_611 = vector.multi_reduction <add>, %mul3A_609, %reduce_sum3A_610 [0] : vector<64x576xf32> to vector<576xf32>
    %broadcast_in_dim3A_612 = vector.shape_cast %reduce_sum3A_611 : vector<576xf32> to vector<1x576xf32>
    %dot_general3A_613 = arith.constant dense<0.000000e+00> : vector<1024x576xf32>
    %dot_general3A_614 = tpu.matmul %get3A_1, %get3A_608, %dot_general3A_613 {dimension_numbers = #tpu.dot_dimension_numbers<[1], [0], [0], [1], [0, 0, 1, 1], [], []>, transpose_lhs_hint = false} : vector<1024x64xf32>, vector<64x576xf32>, vector<1024x576xf32> -> vector<1024x576xf32>
    %slice3A_615 = vector.extract_strided_slice %get3A_4 {offsets = [0, 0], sizes = [128, 1], strides = [1, 1]} : vector<1024x1xf32> to vector<128x1xf32>
    %add3A_616 = vector.broadcast %broadcast_in_dim3A_612 : vector<1x576xf32> to vector<128x576xf32>
    %add3A_617 = vector.broadcast %slice3A_615 : vector<128x1xf32> to vector<128x576xf32>
    %add3A_618 = arith.addf %add3A_616, %add3A_617 : vector<128x576xf32>
    %slice3A_619 = vector.extract_strided_slice %dot_general3A_614 {offsets = [0, 0], sizes = [128, 576], strides = [1, 1]} : vector<1024x576xf32> to vector<128x576xf32>
    %sub3A_620 = arith.subf %add3A_618, %slice3A_619 : vector<128x576xf32>
    %reduce_min3A_621 = arith.constant dense<0x7F800000> : vector<576xf32>
    %reduce_min3A_622 = vector.multi_reduction <minimumf>, %sub3A_620, %reduce_min3A_621 [0] : vector<128x576xf32> to vector<576xf32>
    %broadcast_in_dim3A_623 = vector.shape_cast %reduce_min3A_622 : vector<576xf32> to vector<1x576xf32>
    %eq3A_624 = vector.broadcast %broadcast_in_dim3A_623 : vector<1x576xf32> to vector<128x576xf32>
    %eq3A_625 = arith.cmpf oeq, %sub3A_620, %eq3A_624 : vector<128x576xf32>
    %jit3A_626 = arith.constant 128 : i32
    %broadcast_in_dim3A_627 = vector.broadcast %jit3A_626 : i32 to vector<128x576xi32>
    %select_n3A_628 = arith.select %eq3A_625, %iota3A, %broadcast_in_dim3A_627 : vector<128x576xi1>, vector<128x576xi32>
    %reduce_min3A_629 = arith.constant dense<2147483647> : vector<576xi32>
    %reduce_min3A_630 = vector.multi_reduction <minsi>, %select_n3A_628, %reduce_min3A_629 [0] : vector<128x576xi32> to vector<576xi32>
    %add3A_631 = arith.constant 0 : i32
    %add3A_632 = vector.broadcast %add3A_631 : i32 to vector<576xi32>
    %add3A_633 = arith.addi %reduce_min3A_630, %add3A_632 : vector<576xi32>
    %slice3A_634 = vector.extract_strided_slice %get3A_4 {offsets = [128, 0], sizes = [128, 1], strides = [1, 1]} : vector<1024x1xf32> to vector<128x1xf32>
    %add3A_635 = vector.broadcast %broadcast_in_dim3A_612 : vector<1x576xf32> to vector<128x576xf32>
    %add3A_636 = vector.broadcast %slice3A_634 : vector<128x1xf32> to vector<128x576xf32>
    %add3A_637 = arith.addf %add3A_635, %add3A_636 : vector<128x576xf32>
    %slice3A_638 = vector.extract_strided_slice %dot_general3A_614 {offsets = [128, 0], sizes = [128, 576], strides = [1, 1]} : vector<1024x576xf32> to vector<128x576xf32>
    %sub3A_639 = arith.subf %add3A_637, %slice3A_638 : vector<128x576xf32>
    %reduce_min3A_640 = arith.constant dense<0x7F800000> : vector<576xf32>
    %reduce_min3A_641 = vector.multi_reduction <minimumf>, %sub3A_639, %reduce_min3A_640 [0] : vector<128x576xf32> to vector<576xf32>
    %broadcast_in_dim3A_642 = vector.shape_cast %reduce_min3A_641 : vector<576xf32> to vector<1x576xf32>
    %eq3A_643 = vector.broadcast %broadcast_in_dim3A_642 : vector<1x576xf32> to vector<128x576xf32>
    %eq3A_644 = arith.cmpf oeq, %sub3A_639, %eq3A_643 : vector<128x576xf32>
    %jit3A_645 = arith.constant 128 : i32
    %broadcast_in_dim3A_646 = vector.broadcast %jit3A_645 : i32 to vector<128x576xi32>
    %select_n3A_647 = arith.select %eq3A_644, %iota3A, %broadcast_in_dim3A_646 : vector<128x576xi1>, vector<128x576xi32>
    %reduce_min3A_648 = arith.constant dense<2147483647> : vector<576xi32>
    %reduce_min3A_649 = vector.multi_reduction <minsi>, %select_n3A_647, %reduce_min3A_648 [0] : vector<128x576xi32> to vector<576xi32>
    %add3A_650 = arith.constant 128 : i32
    %add3A_651 = vector.broadcast %add3A_650 : i32 to vector<576xi32>
    %add3A_652 = arith.addi %reduce_min3A_649, %add3A_651 : vector<576xi32>
    %lt3A_653 = arith.cmpf olt, %broadcast_in_dim3A_642, %broadcast_in_dim3A_623 : vector<1x576xf32>
    %squeeze3A_654 = vector.shape_cast %lt3A_653 : vector<1x576xi1> to vector<576xi1>
    %select_n3A_655 = arith.select %squeeze3A_654, %add3A_652, %add3A_633 : vector<576xi1>, vector<576xi32>
    %select_n3A_656 = arith.select %lt3A_653, %broadcast_in_dim3A_642, %broadcast_in_dim3A_623 : vector<1x576xi1>, vector<1x576xf32>
    %slice3A_657 = vector.extract_strided_slice %get3A_4 {offsets = [256, 0], sizes = [128, 1], strides = [1, 1]} : vector<1024x1xf32> to vector<128x1xf32>
    %add3A_658 = vector.broadcast %broadcast_in_dim3A_612 : vector<1x576xf32> to vector<128x576xf32>
    %add3A_659 = vector.broadcast %slice3A_657 : vector<128x1xf32> to vector<128x576xf32>
    %add3A_660 = arith.addf %add3A_658, %add3A_659 : vector<128x576xf32>
    %slice3A_661 = vector.extract_strided_slice %dot_general3A_614 {offsets = [256, 0], sizes = [128, 576], strides = [1, 1]} : vector<1024x576xf32> to vector<128x576xf32>
    %sub3A_662 = arith.subf %add3A_660, %slice3A_661 : vector<128x576xf32>
    %reduce_min3A_663 = arith.constant dense<0x7F800000> : vector<576xf32>
    %reduce_min3A_664 = vector.multi_reduction <minimumf>, %sub3A_662, %reduce_min3A_663 [0] : vector<128x576xf32> to vector<576xf32>
    %broadcast_in_dim3A_665 = vector.shape_cast %reduce_min3A_664 : vector<576xf32> to vector<1x576xf32>
    %eq3A_666 = vector.broadcast %broadcast_in_dim3A_665 : vector<1x576xf32> to vector<128x576xf32>
    %eq3A_667 = arith.cmpf oeq, %sub3A_662, %eq3A_666 : vector<128x576xf32>
    %jit3A_668 = arith.constant 128 : i32
    %broadcast_in_dim3A_669 = vector.broadcast %jit3A_668 : i32 to vector<128x576xi32>
    %select_n3A_670 = arith.select %eq3A_667, %iota3A, %broadcast_in_dim3A_669 : vector<128x576xi1>, vector<128x576xi32>
    %reduce_min3A_671 = arith.constant dense<2147483647> : vector<576xi32>
    %reduce_min3A_672 = vector.multi_reduction <minsi>, %select_n3A_670, %reduce_min3A_671 [0] : vector<128x576xi32> to vector<576xi32>
    %add3A_673 = arith.constant 256 : i32
    %add3A_674 = vector.broadcast %add3A_673 : i32 to vector<576xi32>
    %add3A_675 = arith.addi %reduce_min3A_672, %add3A_674 : vector<576xi32>
    %lt3A_676 = arith.cmpf olt, %broadcast_in_dim3A_665, %select_n3A_656 : vector<1x576xf32>
    %squeeze3A_677 = vector.shape_cast %lt3A_676 : vector<1x576xi1> to vector<576xi1>
    %select_n3A_678 = arith.select %squeeze3A_677, %add3A_675, %select_n3A_655 : vector<576xi1>, vector<576xi32>
    %select_n3A_679 = arith.select %lt3A_676, %broadcast_in_dim3A_665, %select_n3A_656 : vector<1x576xi1>, vector<1x576xf32>
    %slice3A_680 = vector.extract_strided_slice %get3A_4 {offsets = [384, 0], sizes = [128, 1], strides = [1, 1]} : vector<1024x1xf32> to vector<128x1xf32>
    %add3A_681 = vector.broadcast %broadcast_in_dim3A_612 : vector<1x576xf32> to vector<128x576xf32>
    %add3A_682 = vector.broadcast %slice3A_680 : vector<128x1xf32> to vector<128x576xf32>
    %add3A_683 = arith.addf %add3A_681, %add3A_682 : vector<128x576xf32>
    %slice3A_684 = vector.extract_strided_slice %dot_general3A_614 {offsets = [384, 0], sizes = [128, 576], strides = [1, 1]} : vector<1024x576xf32> to vector<128x576xf32>
    %sub3A_685 = arith.subf %add3A_683, %slice3A_684 : vector<128x576xf32>
    %reduce_min3A_686 = arith.constant dense<0x7F800000> : vector<576xf32>
    %reduce_min3A_687 = vector.multi_reduction <minimumf>, %sub3A_685, %reduce_min3A_686 [0] : vector<128x576xf32> to vector<576xf32>
    %broadcast_in_dim3A_688 = vector.shape_cast %reduce_min3A_687 : vector<576xf32> to vector<1x576xf32>
    %eq3A_689 = vector.broadcast %broadcast_in_dim3A_688 : vector<1x576xf32> to vector<128x576xf32>
    %eq3A_690 = arith.cmpf oeq, %sub3A_685, %eq3A_689 : vector<128x576xf32>
    %jit3A_691 = arith.constant 128 : i32
    %broadcast_in_dim3A_692 = vector.broadcast %jit3A_691 : i32 to vector<128x576xi32>
    %select_n3A_693 = arith.select %eq3A_690, %iota3A, %broadcast_in_dim3A_692 : vector<128x576xi1>, vector<128x576xi32>
    %reduce_min3A_694 = arith.constant dense<2147483647> : vector<576xi32>
    %reduce_min3A_695 = vector.multi_reduction <minsi>, %select_n3A_693, %reduce_min3A_694 [0] : vector<128x576xi32> to vector<576xi32>
    %add3A_696 = arith.constant 384 : i32
    %add3A_697 = vector.broadcast %add3A_696 : i32 to vector<576xi32>
    %add3A_698 = arith.addi %reduce_min3A_695, %add3A_697 : vector<576xi32>
    %lt3A_699 = arith.cmpf olt, %broadcast_in_dim3A_688, %select_n3A_679 : vector<1x576xf32>
    %squeeze3A_700 = vector.shape_cast %lt3A_699 : vector<1x576xi1> to vector<576xi1>
    %select_n3A_701 = arith.select %squeeze3A_700, %add3A_698, %select_n3A_678 : vector<576xi1>, vector<576xi32>
    %select_n3A_702 = arith.select %lt3A_699, %broadcast_in_dim3A_688, %select_n3A_679 : vector<1x576xi1>, vector<1x576xf32>
    %slice3A_703 = vector.extract_strided_slice %get3A_4 {offsets = [512, 0], sizes = [128, 1], strides = [1, 1]} : vector<1024x1xf32> to vector<128x1xf32>
    %add3A_704 = vector.broadcast %broadcast_in_dim3A_612 : vector<1x576xf32> to vector<128x576xf32>
    %add3A_705 = vector.broadcast %slice3A_703 : vector<128x1xf32> to vector<128x576xf32>
    %add3A_706 = arith.addf %add3A_704, %add3A_705 : vector<128x576xf32>
    %slice3A_707 = vector.extract_strided_slice %dot_general3A_614 {offsets = [512, 0], sizes = [128, 576], strides = [1, 1]} : vector<1024x576xf32> to vector<128x576xf32>
    %sub3A_708 = arith.subf %add3A_706, %slice3A_707 : vector<128x576xf32>
    %reduce_min3A_709 = arith.constant dense<0x7F800000> : vector<576xf32>
    %reduce_min3A_710 = vector.multi_reduction <minimumf>, %sub3A_708, %reduce_min3A_709 [0] : vector<128x576xf32> to vector<576xf32>
    %broadcast_in_dim3A_711 = vector.shape_cast %reduce_min3A_710 : vector<576xf32> to vector<1x576xf32>
    %eq3A_712 = vector.broadcast %broadcast_in_dim3A_711 : vector<1x576xf32> to vector<128x576xf32>
    %eq3A_713 = arith.cmpf oeq, %sub3A_708, %eq3A_712 : vector<128x576xf32>
    %jit3A_714 = arith.constant 128 : i32
    %broadcast_in_dim3A_715 = vector.broadcast %jit3A_714 : i32 to vector<128x576xi32>
    %select_n3A_716 = arith.select %eq3A_713, %iota3A, %broadcast_in_dim3A_715 : vector<128x576xi1>, vector<128x576xi32>
    %reduce_min3A_717 = arith.constant dense<2147483647> : vector<576xi32>
    %reduce_min3A_718 = vector.multi_reduction <minsi>, %select_n3A_716, %reduce_min3A_717 [0] : vector<128x576xi32> to vector<576xi32>
    %add3A_719 = arith.constant 512 : i32
    %add3A_720 = vector.broadcast %add3A_719 : i32 to vector<576xi32>
    %add3A_721 = arith.addi %reduce_min3A_718, %add3A_720 : vector<576xi32>
    %lt3A_722 = arith.cmpf olt, %broadcast_in_dim3A_711, %select_n3A_702 : vector<1x576xf32>
    %squeeze3A_723 = vector.shape_cast %lt3A_722 : vector<1x576xi1> to vector<576xi1>
    %select_n3A_724 = arith.select %squeeze3A_723, %add3A_721, %select_n3A_701 : vector<576xi1>, vector<576xi32>
    %select_n3A_725 = arith.select %lt3A_722, %broadcast_in_dim3A_711, %select_n3A_702 : vector<1x576xi1>, vector<1x576xf32>
    %slice3A_726 = vector.extract_strided_slice %get3A_4 {offsets = [640, 0], sizes = [128, 1], strides = [1, 1]} : vector<1024x1xf32> to vector<128x1xf32>
    %add3A_727 = vector.broadcast %broadcast_in_dim3A_612 : vector<1x576xf32> to vector<128x576xf32>
    %add3A_728 = vector.broadcast %slice3A_726 : vector<128x1xf32> to vector<128x576xf32>
    %add3A_729 = arith.addf %add3A_727, %add3A_728 : vector<128x576xf32>
    %slice3A_730 = vector.extract_strided_slice %dot_general3A_614 {offsets = [640, 0], sizes = [128, 576], strides = [1, 1]} : vector<1024x576xf32> to vector<128x576xf32>
    %sub3A_731 = arith.subf %add3A_729, %slice3A_730 : vector<128x576xf32>
    %reduce_min3A_732 = arith.constant dense<0x7F800000> : vector<576xf32>
    %reduce_min3A_733 = vector.multi_reduction <minimumf>, %sub3A_731, %reduce_min3A_732 [0] : vector<128x576xf32> to vector<576xf32>
    %broadcast_in_dim3A_734 = vector.shape_cast %reduce_min3A_733 : vector<576xf32> to vector<1x576xf32>
    %eq3A_735 = vector.broadcast %broadcast_in_dim3A_734 : vector<1x576xf32> to vector<128x576xf32>
    %eq3A_736 = arith.cmpf oeq, %sub3A_731, %eq3A_735 : vector<128x576xf32>
    %jit3A_737 = arith.constant 128 : i32
    %broadcast_in_dim3A_738 = vector.broadcast %jit3A_737 : i32 to vector<128x576xi32>
    %select_n3A_739 = arith.select %eq3A_736, %iota3A, %broadcast_in_dim3A_738 : vector<128x576xi1>, vector<128x576xi32>
    %reduce_min3A_740 = arith.constant dense<2147483647> : vector<576xi32>
    %reduce_min3A_741 = vector.multi_reduction <minsi>, %select_n3A_739, %reduce_min3A_740 [0] : vector<128x576xi32> to vector<576xi32>
    %add3A_742 = arith.constant 640 : i32
    %add3A_743 = vector.broadcast %add3A_742 : i32 to vector<576xi32>
    %add3A_744 = arith.addi %reduce_min3A_741, %add3A_743 : vector<576xi32>
    %lt3A_745 = arith.cmpf olt, %broadcast_in_dim3A_734, %select_n3A_725 : vector<1x576xf32>
    %squeeze3A_746 = vector.shape_cast %lt3A_745 : vector<1x576xi1> to vector<576xi1>
    %select_n3A_747 = arith.select %squeeze3A_746, %add3A_744, %select_n3A_724 : vector<576xi1>, vector<576xi32>
    %select_n3A_748 = arith.select %lt3A_745, %broadcast_in_dim3A_734, %select_n3A_725 : vector<1x576xi1>, vector<1x576xf32>
    %slice3A_749 = vector.extract_strided_slice %get3A_4 {offsets = [768, 0], sizes = [128, 1], strides = [1, 1]} : vector<1024x1xf32> to vector<128x1xf32>
    %add3A_750 = vector.broadcast %broadcast_in_dim3A_612 : vector<1x576xf32> to vector<128x576xf32>
    %add3A_751 = vector.broadcast %slice3A_749 : vector<128x1xf32> to vector<128x576xf32>
    %add3A_752 = arith.addf %add3A_750, %add3A_751 : vector<128x576xf32>
    %slice3A_753 = vector.extract_strided_slice %dot_general3A_614 {offsets = [768, 0], sizes = [128, 576], strides = [1, 1]} : vector<1024x576xf32> to vector<128x576xf32>
    %sub3A_754 = arith.subf %add3A_752, %slice3A_753 : vector<128x576xf32>
    %reduce_min3A_755 = arith.constant dense<0x7F800000> : vector<576xf32>
    %reduce_min3A_756 = vector.multi_reduction <minimumf>, %sub3A_754, %reduce_min3A_755 [0] : vector<128x576xf32> to vector<576xf32>
    %broadcast_in_dim3A_757 = vector.shape_cast %reduce_min3A_756 : vector<576xf32> to vector<1x576xf32>
    %eq3A_758 = vector.broadcast %broadcast_in_dim3A_757 : vector<1x576xf32> to vector<128x576xf32>
    %eq3A_759 = arith.cmpf oeq, %sub3A_754, %eq3A_758 : vector<128x576xf32>
    %jit3A_760 = arith.constant 128 : i32
    %broadcast_in_dim3A_761 = vector.broadcast %jit3A_760 : i32 to vector<128x576xi32>
    %select_n3A_762 = arith.select %eq3A_759, %iota3A, %broadcast_in_dim3A_761 : vector<128x576xi1>, vector<128x576xi32>
    %reduce_min3A_763 = arith.constant dense<2147483647> : vector<576xi32>
    %reduce_min3A_764 = vector.multi_reduction <minsi>, %select_n3A_762, %reduce_min3A_763 [0] : vector<128x576xi32> to vector<576xi32>
    %add3A_765 = arith.constant 768 : i32
    %add3A_766 = vector.broadcast %add3A_765 : i32 to vector<576xi32>
    %add3A_767 = arith.addi %reduce_min3A_764, %add3A_766 : vector<576xi32>
    %lt3A_768 = arith.cmpf olt, %broadcast_in_dim3A_757, %select_n3A_748 : vector<1x576xf32>
    %squeeze3A_769 = vector.shape_cast %lt3A_768 : vector<1x576xi1> to vector<576xi1>
    %select_n3A_770 = arith.select %squeeze3A_769, %add3A_767, %select_n3A_747 : vector<576xi1>, vector<576xi32>
    %select_n3A_771 = arith.select %lt3A_768, %broadcast_in_dim3A_757, %select_n3A_748 : vector<1x576xi1>, vector<1x576xf32>
    %slice3A_772 = vector.extract_strided_slice %get3A_4 {offsets = [896, 0], sizes = [128, 1], strides = [1, 1]} : vector<1024x1xf32> to vector<128x1xf32>
    %add3A_773 = vector.broadcast %broadcast_in_dim3A_612 : vector<1x576xf32> to vector<128x576xf32>
    %add3A_774 = vector.broadcast %slice3A_772 : vector<128x1xf32> to vector<128x576xf32>
    %add3A_775 = arith.addf %add3A_773, %add3A_774 : vector<128x576xf32>
    %slice3A_776 = vector.extract_strided_slice %dot_general3A_614 {offsets = [896, 0], sizes = [128, 576], strides = [1, 1]} : vector<1024x576xf32> to vector<128x576xf32>
    %sub3A_777 = arith.subf %add3A_775, %slice3A_776 : vector<128x576xf32>
    %reduce_min3A_778 = arith.constant dense<0x7F800000> : vector<576xf32>
    %reduce_min3A_779 = vector.multi_reduction <minimumf>, %sub3A_777, %reduce_min3A_778 [0] : vector<128x576xf32> to vector<576xf32>
    %broadcast_in_dim3A_780 = vector.shape_cast %reduce_min3A_779 : vector<576xf32> to vector<1x576xf32>
    %eq3A_781 = vector.broadcast %broadcast_in_dim3A_780 : vector<1x576xf32> to vector<128x576xf32>
    %eq3A_782 = arith.cmpf oeq, %sub3A_777, %eq3A_781 : vector<128x576xf32>
    %jit3A_783 = arith.constant 128 : i32
    %broadcast_in_dim3A_784 = vector.broadcast %jit3A_783 : i32 to vector<128x576xi32>
    %select_n3A_785 = arith.select %eq3A_782, %iota3A, %broadcast_in_dim3A_784 : vector<128x576xi1>, vector<128x576xi32>
    %reduce_min3A_786 = arith.constant dense<2147483647> : vector<576xi32>
    %reduce_min3A_787 = vector.multi_reduction <minsi>, %select_n3A_785, %reduce_min3A_786 [0] : vector<128x576xi32> to vector<576xi32>
    %add3A_788 = arith.constant 896 : i32
    %add3A_789 = vector.broadcast %add3A_788 : i32 to vector<576xi32>
    %add3A_790 = arith.addi %reduce_min3A_787, %add3A_789 : vector<576xi32>
    %lt3A_791 = arith.cmpf olt, %broadcast_in_dim3A_780, %select_n3A_771 : vector<1x576xf32>
    %squeeze3A_792 = vector.shape_cast %lt3A_791 : vector<1x576xi1> to vector<576xi1>
    %select_n3A_793 = arith.select %squeeze3A_792, %add3A_790, %select_n3A_770 : vector<576xi1>, vector<576xi32>
    %select_n3A_794 = arith.select %lt3A_791, %broadcast_in_dim3A_780, %select_n3A_771 : vector<1x576xi1>, vector<1x576xf32>
    %swap3A_795 = arith.constant 0 : index
    %swap3A_796 = arith.constant 3 : index
    %swap3A_797 = arith.constant 0 : index
    %swap3A_798 = vector.load %arg4[%swap3A_795, %swap3A_796, %swap3A_797] : memref<1x8x576xi32, #tpu.memory_space<vmem>>, vector<1x1x576xi32>
    %swap3A_799 = vector.shape_cast %swap3A_798 : vector<1x1x576xi32> to vector<576xi32>
    %swap3A_800 = vector.shape_cast %select_n3A_793 : vector<576xi32> to vector<1x1x576xi32>
    tpu.vector_store %arg4[%swap3A_795, %swap3A_796, %swap3A_797], %swap3A_800 {strides = array<i32>} : memref<1x8x576xi32, #tpu.memory_space<vmem>>, vector<1x1x576xi32>,
    %reduce_sum3A_801 = vector.shape_cast %select_n3A_794 : vector<1x576xf32> to vector<1x1x576xf32>
    %reduce_sum3A_802 = arith.constant dense<0.000000e+00> : vector<1xf32>
    %reduce_sum3A_803 = vector.multi_reduction <add>, %reduce_sum3A_801, %reduce_sum3A_802 [1, 2] : vector<1x1x576xf32> to vector<1xf32>
    %reduce_sum3A_804 = vector.shape_cast %reduce_sum3A_803 : vector<1xf32> to vector<1x1x1xf32>
    %reduce_sum3A_805 = vector.extract %reduce_sum3A_804[0, 0, 0] : f32 from vector<1x1x1xf32>
    %reshape3A_806 = vector.broadcast %reduce_sum3A_805 : f32 to vector<1x1xf32>
    %add3A_807 = arith.addf %add3A_603, %reshape3A_806 : vector<1x1xf32>
    %get3A_808 = arith.constant 4 : index
    %get3A_809 = arith.constant 0 : index
    %get3A_810 = arith.constant 0 : index
    %get3A_811 = vector.load %arg1[%get3A_808, %get3A_809, %get3A_810] : memref<8x64x576xf32, #tpu.memory_space<vmem>>, vector<1x64x576xf32>
    %get3A_812 = vector.shape_cast %get3A_811 : vector<1x64x576xf32> to vector<64x576xf32>
    %mul3A_813 = arith.mulf %get3A_812, %get3A_812 : vector<64x576xf32>
    %reduce_sum3A_814 = arith.constant dense<0.000000e+00> : vector<576xf32>
    %reduce_sum3A_815 = vector.multi_reduction <add>, %mul3A_813, %reduce_sum3A_814 [0] : vector<64x576xf32> to vector<576xf32>
    %broadcast_in_dim3A_816 = vector.shape_cast %reduce_sum3A_815 : vector<576xf32> to vector<1x576xf32>
    %dot_general3A_817 = arith.constant dense<0.000000e+00> : vector<1024x576xf32>
    %dot_general3A_818 = tpu.matmul %get3A_1, %get3A_812, %dot_general3A_817 {dimension_numbers = #tpu.dot_dimension_numbers<[1], [0], [0], [1], [0, 0, 1, 1], [], []>, transpose_lhs_hint = false} : vector<1024x64xf32>, vector<64x576xf32>, vector<1024x576xf32> -> vector<1024x576xf32>
    %slice3A_819 = vector.extract_strided_slice %get3A_4 {offsets = [0, 0], sizes = [128, 1], strides = [1, 1]} : vector<1024x1xf32> to vector<128x1xf32>
    %add3A_820 = vector.broadcast %broadcast_in_dim3A_816 : vector<1x576xf32> to vector<128x576xf32>
    %add3A_821 = vector.broadcast %slice3A_819 : vector<128x1xf32> to vector<128x576xf32>
    %add3A_822 = arith.addf %add3A_820, %add3A_821 : vector<128x576xf32>
    %slice3A_823 = vector.extract_strided_slice %dot_general3A_818 {offsets = [0, 0], sizes = [128, 576], strides = [1, 1]} : vector<1024x576xf32> to vector<128x576xf32>
    %sub3A_824 = arith.subf %add3A_822, %slice3A_823 : vector<128x576xf32>
    %reduce_min3A_825 = arith.constant dense<0x7F800000> : vector<576xf32>
    %reduce_min3A_826 = vector.multi_reduction <minimumf>, %sub3A_824, %reduce_min3A_825 [0] : vector<128x576xf32> to vector<576xf32>
    %broadcast_in_dim3A_827 = vector.shape_cast %reduce_min3A_826 : vector<576xf32> to vector<1x576xf32>
    %eq3A_828 = vector.broadcast %broadcast_in_dim3A_827 : vector<1x576xf32> to vector<128x576xf32>
    %eq3A_829 = arith.cmpf oeq, %sub3A_824, %eq3A_828 : vector<128x576xf32>
    %jit3A_830 = arith.constant 128 : i32
    %broadcast_in_dim3A_831 = vector.broadcast %jit3A_830 : i32 to vector<128x576xi32>
    %select_n3A_832 = arith.select %eq3A_829, %iota3A, %broadcast_in_dim3A_831 : vector<128x576xi1>, vector<128x576xi32>
    %reduce_min3A_833 = arith.constant dense<2147483647> : vector<576xi32>
    %reduce_min3A_834 = vector.multi_reduction <minsi>, %select_n3A_832, %reduce_min3A_833 [0] : vector<128x576xi32> to vector<576xi32>
    %add3A_835 = arith.constant 0 : i32
    %add3A_836 = vector.broadcast %add3A_835 : i32 to vector<576xi32>
    %add3A_837 = arith.addi %reduce_min3A_834, %add3A_836 : vector<576xi32>
    %slice3A_838 = vector.extract_strided_slice %get3A_4 {offsets = [128, 0], sizes = [128, 1], strides = [1, 1]} : vector<1024x1xf32> to vector<128x1xf32>
    %add3A_839 = vector.broadcast %broadcast_in_dim3A_816 : vector<1x576xf32> to vector<128x576xf32>
    %add3A_840 = vector.broadcast %slice3A_838 : vector<128x1xf32> to vector<128x576xf32>
    %add3A_841 = arith.addf %add3A_839, %add3A_840 : vector<128x576xf32>
    %slice3A_842 = vector.extract_strided_slice %dot_general3A_818 {offsets = [128, 0], sizes = [128, 576], strides = [1, 1]} : vector<1024x576xf32> to vector<128x576xf32>
    %sub3A_843 = arith.subf %add3A_841, %slice3A_842 : vector<128x576xf32>
    %reduce_min3A_844 = arith.constant dense<0x7F800000> : vector<576xf32>
    %reduce_min3A_845 = vector.multi_reduction <minimumf>, %sub3A_843, %reduce_min3A_844 [0] : vector<128x576xf32> to vector<576xf32>
    %broadcast_in_dim3A_846 = vector.shape_cast %reduce_min3A_845 : vector<576xf32> to vector<1x576xf32>
    %eq3A_847 = vector.broadcast %broadcast_in_dim3A_846 : vector<1x576xf32> to vector<128x576xf32>
    %eq3A_848 = arith.cmpf oeq, %sub3A_843, %eq3A_847 : vector<128x576xf32>
    %jit3A_849 = arith.constant 128 : i32
    %broadcast_in_dim3A_850 = vector.broadcast %jit3A_849 : i32 to vector<128x576xi32>
    %select_n3A_851 = arith.select %eq3A_848, %iota3A, %broadcast_in_dim3A_850 : vector<128x576xi1>, vector<128x576xi32>
    %reduce_min3A_852 = arith.constant dense<2147483647> : vector<576xi32>
    %reduce_min3A_853 = vector.multi_reduction <minsi>, %select_n3A_851, %reduce_min3A_852 [0] : vector<128x576xi32> to vector<576xi32>
    %add3A_854 = arith.constant 128 : i32
    %add3A_855 = vector.broadcast %add3A_854 : i32 to vector<576xi32>
    %add3A_856 = arith.addi %reduce_min3A_853, %add3A_855 : vector<576xi32>
    %lt3A_857 = arith.cmpf olt, %broadcast_in_dim3A_846, %broadcast_in_dim3A_827 : vector<1x576xf32>
    %squeeze3A_858 = vector.shape_cast %lt3A_857 : vector<1x576xi1> to vector<576xi1>
    %select_n3A_859 = arith.select %squeeze3A_858, %add3A_856, %add3A_837 : vector<576xi1>, vector<576xi32>
    %select_n3A_860 = arith.select %lt3A_857, %broadcast_in_dim3A_846, %broadcast_in_dim3A_827 : vector<1x576xi1>, vector<1x576xf32>
    %slice3A_861 = vector.extract_strided_slice %get3A_4 {offsets = [256, 0], sizes = [128, 1], strides = [1, 1]} : vector<1024x1xf32> to vector<128x1xf32>
    %add3A_862 = vector.broadcast %broadcast_in_dim3A_816 : vector<1x576xf32> to vector<128x576xf32>
    %add3A_863 = vector.broadcast %slice3A_861 : vector<128x1xf32> to vector<128x576xf32>
    %add3A_864 = arith.addf %add3A_862, %add3A_863 : vector<128x576xf32>
    %slice3A_865 = vector.extract_strided_slice %dot_general3A_818 {offsets = [256, 0], sizes = [128, 576], strides = [1, 1]} : vector<1024x576xf32> to vector<128x576xf32>
    %sub3A_866 = arith.subf %add3A_864, %slice3A_865 : vector<128x576xf32>
    %reduce_min3A_867 = arith.constant dense<0x7F800000> : vector<576xf32>
    %reduce_min3A_868 = vector.multi_reduction <minimumf>, %sub3A_866, %reduce_min3A_867 [0] : vector<128x576xf32> to vector<576xf32>
    %broadcast_in_dim3A_869 = vector.shape_cast %reduce_min3A_868 : vector<576xf32> to vector<1x576xf32>
    %eq3A_870 = vector.broadcast %broadcast_in_dim3A_869 : vector<1x576xf32> to vector<128x576xf32>
    %eq3A_871 = arith.cmpf oeq, %sub3A_866, %eq3A_870 : vector<128x576xf32>
    %jit3A_872 = arith.constant 128 : i32
    %broadcast_in_dim3A_873 = vector.broadcast %jit3A_872 : i32 to vector<128x576xi32>
    %select_n3A_874 = arith.select %eq3A_871, %iota3A, %broadcast_in_dim3A_873 : vector<128x576xi1>, vector<128x576xi32>
    %reduce_min3A_875 = arith.constant dense<2147483647> : vector<576xi32>
    %reduce_min3A_876 = vector.multi_reduction <minsi>, %select_n3A_874, %reduce_min3A_875 [0] : vector<128x576xi32> to vector<576xi32>
    %add3A_877 = arith.constant 256 : i32
    %add3A_878 = vector.broadcast %add3A_877 : i32 to vector<576xi32>
    %add3A_879 = arith.addi %reduce_min3A_876, %add3A_878 : vector<576xi32>
    %lt3A_880 = arith.cmpf olt, %broadcast_in_dim3A_869, %select_n3A_860 : vector<1x576xf32>
    %squeeze3A_881 = vector.shape_cast %lt3A_880 : vector<1x576xi1> to vector<576xi1>
    %select_n3A_882 = arith.select %squeeze3A_881, %add3A_879, %select_n3A_859 : vector<576xi1>, vector<576xi32>
    %select_n3A_883 = arith.select %lt3A_880, %broadcast_in_dim3A_869, %select_n3A_860 : vector<1x576xi1>, vector<1x576xf32>
    %slice3A_884 = vector.extract_strided_slice %get3A_4 {offsets = [384, 0], sizes = [128, 1], strides = [1, 1]} : vector<1024x1xf32> to vector<128x1xf32>
    %add3A_885 = vector.broadcast %broadcast_in_dim3A_816 : vector<1x576xf32> to vector<128x576xf32>
    %add3A_886 = vector.broadcast %slice3A_884 : vector<128x1xf32> to vector<128x576xf32>
    %add3A_887 = arith.addf %add3A_885, %add3A_886 : vector<128x576xf32>
    %slice3A_888 = vector.extract_strided_slice %dot_general3A_818 {offsets = [384, 0], sizes = [128, 576], strides = [1, 1]} : vector<1024x576xf32> to vector<128x576xf32>
    %sub3A_889 = arith.subf %add3A_887, %slice3A_888 : vector<128x576xf32>
    %reduce_min3A_890 = arith.constant dense<0x7F800000> : vector<576xf32>
    %reduce_min3A_891 = vector.multi_reduction <minimumf>, %sub3A_889, %reduce_min3A_890 [0] : vector<128x576xf32> to vector<576xf32>
    %broadcast_in_dim3A_892 = vector.shape_cast %reduce_min3A_891 : vector<576xf32> to vector<1x576xf32>
    %eq3A_893 = vector.broadcast %broadcast_in_dim3A_892 : vector<1x576xf32> to vector<128x576xf32>
    %eq3A_894 = arith.cmpf oeq, %sub3A_889, %eq3A_893 : vector<128x576xf32>
    %jit3A_895 = arith.constant 128 : i32
    %broadcast_in_dim3A_896 = vector.broadcast %jit3A_895 : i32 to vector<128x576xi32>
    %select_n3A_897 = arith.select %eq3A_894, %iota3A, %broadcast_in_dim3A_896 : vector<128x576xi1>, vector<128x576xi32>
    %reduce_min3A_898 = arith.constant dense<2147483647> : vector<576xi32>
    %reduce_min3A_899 = vector.multi_reduction <minsi>, %select_n3A_897, %reduce_min3A_898 [0] : vector<128x576xi32> to vector<576xi32>
    %add3A_900 = arith.constant 384 : i32
    %add3A_901 = vector.broadcast %add3A_900 : i32 to vector<576xi32>
    %add3A_902 = arith.addi %reduce_min3A_899, %add3A_901 : vector<576xi32>
    %lt3A_903 = arith.cmpf olt, %broadcast_in_dim3A_892, %select_n3A_883 : vector<1x576xf32>
    %squeeze3A_904 = vector.shape_cast %lt3A_903 : vector<1x576xi1> to vector<576xi1>
    %select_n3A_905 = arith.select %squeeze3A_904, %add3A_902, %select_n3A_882 : vector<576xi1>, vector<576xi32>
    %select_n3A_906 = arith.select %lt3A_903, %broadcast_in_dim3A_892, %select_n3A_883 : vector<1x576xi1>, vector<1x576xf32>
    %slice3A_907 = vector.extract_strided_slice %get3A_4 {offsets = [512, 0], sizes = [128, 1], strides = [1, 1]} : vector<1024x1xf32> to vector<128x1xf32>
    %add3A_908 = vector.broadcast %broadcast_in_dim3A_816 : vector<1x576xf32> to vector<128x576xf32>
    %add3A_909 = vector.broadcast %slice3A_907 : vector<128x1xf32> to vector<128x576xf32>
    %add3A_910 = arith.addf %add3A_908, %add3A_909 : vector<128x576xf32>
    %slice3A_911 = vector.extract_strided_slice %dot_general3A_818 {offsets = [512, 0], sizes = [128, 576], strides = [1, 1]} : vector<1024x576xf32> to vector<128x576xf32>
    %sub3A_912 = arith.subf %add3A_910, %slice3A_911 : vector<128x576xf32>
    %reduce_min3A_913 = arith.constant dense<0x7F800000> : vector<576xf32>
    %reduce_min3A_914 = vector.multi_reduction <minimumf>, %sub3A_912, %reduce_min3A_913 [0] : vector<128x576xf32> to vector<576xf32>
    %broadcast_in_dim3A_915 = vector.shape_cast %reduce_min3A_914 : vector<576xf32> to vector<1x576xf32>
    %eq3A_916 = vector.broadcast %broadcast_in_dim3A_915 : vector<1x576xf32> to vector<128x576xf32>
    %eq3A_917 = arith.cmpf oeq, %sub3A_912, %eq3A_916 : vector<128x576xf32>
    %jit3A_918 = arith.constant 128 : i32
    %broadcast_in_dim3A_919 = vector.broadcast %jit3A_918 : i32 to vector<128x576xi32>
    %select_n3A_920 = arith.select %eq3A_917, %iota3A, %broadcast_in_dim3A_919 : vector<128x576xi1>, vector<128x576xi32>
    %reduce_min3A_921 = arith.constant dense<2147483647> : vector<576xi32>
    %reduce_min3A_922 = vector.multi_reduction <minsi>, %select_n3A_920, %reduce_min3A_921 [0] : vector<128x576xi32> to vector<576xi32>
    %add3A_923 = arith.constant 512 : i32
    %add3A_924 = vector.broadcast %add3A_923 : i32 to vector<576xi32>
    %add3A_925 = arith.addi %reduce_min3A_922, %add3A_924 : vector<576xi32>
    %lt3A_926 = arith.cmpf olt, %broadcast_in_dim3A_915, %select_n3A_906 : vector<1x576xf32>
    %squeeze3A_927 = vector.shape_cast %lt3A_926 : vector<1x576xi1> to vector<576xi1>
    %select_n3A_928 = arith.select %squeeze3A_927, %add3A_925, %select_n3A_905 : vector<576xi1>, vector<576xi32>
    %select_n3A_929 = arith.select %lt3A_926, %broadcast_in_dim3A_915, %select_n3A_906 : vector<1x576xi1>, vector<1x576xf32>
    %slice3A_930 = vector.extract_strided_slice %get3A_4 {offsets = [640, 0], sizes = [128, 1], strides = [1, 1]} : vector<1024x1xf32> to vector<128x1xf32>
    %add3A_931 = vector.broadcast %broadcast_in_dim3A_816 : vector<1x576xf32> to vector<128x576xf32>
    %add3A_932 = vector.broadcast %slice3A_930 : vector<128x1xf32> to vector<128x576xf32>
    %add3A_933 = arith.addf %add3A_931, %add3A_932 : vector<128x576xf32>
    %slice3A_934 = vector.extract_strided_slice %dot_general3A_818 {offsets = [640, 0], sizes = [128, 576], strides = [1, 1]} : vector<1024x576xf32> to vector<128x576xf32>
    %sub3A_935 = arith.subf %add3A_933, %slice3A_934 : vector<128x576xf32>
    %reduce_min3A_936 = arith.constant dense<0x7F800000> : vector<576xf32>
    %reduce_min3A_937 = vector.multi_reduction <minimumf>, %sub3A_935, %reduce_min3A_936 [0] : vector<128x576xf32> to vector<576xf32>
    %broadcast_in_dim3A_938 = vector.shape_cast %reduce_min3A_937 : vector<576xf32> to vector<1x576xf32>
    %eq3A_939 = vector.broadcast %broadcast_in_dim3A_938 : vector<1x576xf32> to vector<128x576xf32>
    %eq3A_940 = arith.cmpf oeq, %sub3A_935, %eq3A_939 : vector<128x576xf32>
    %jit3A_941 = arith.constant 128 : i32
    %broadcast_in_dim3A_942 = vector.broadcast %jit3A_941 : i32 to vector<128x576xi32>
    %select_n3A_943 = arith.select %eq3A_940, %iota3A, %broadcast_in_dim3A_942 : vector<128x576xi1>, vector<128x576xi32>
    %reduce_min3A_944 = arith.constant dense<2147483647> : vector<576xi32>
    %reduce_min3A_945 = vector.multi_reduction <minsi>, %select_n3A_943, %reduce_min3A_944 [0] : vector<128x576xi32> to vector<576xi32>
    %add3A_946 = arith.constant 640 : i32
    %add3A_947 = vector.broadcast %add3A_946 : i32 to vector<576xi32>
    %add3A_948 = arith.addi %reduce_min3A_945, %add3A_947 : vector<576xi32>
    %lt3A_949 = arith.cmpf olt, %broadcast_in_dim3A_938, %select_n3A_929 : vector<1x576xf32>
    %squeeze3A_950 = vector.shape_cast %lt3A_949 : vector<1x576xi1> to vector<576xi1>
    %select_n3A_951 = arith.select %squeeze3A_950, %add3A_948, %select_n3A_928 : vector<576xi1>, vector<576xi32>
    %select_n3A_952 = arith.select %lt3A_949, %broadcast_in_dim3A_938, %select_n3A_929 : vector<1x576xi1>, vector<1x576xf32>
    %slice3A_953 = vector.extract_strided_slice %get3A_4 {offsets = [768, 0], sizes = [128, 1], strides = [1, 1]} : vector<1024x1xf32> to vector<128x1xf32>
    %add3A_954 = vector.broadcast %broadcast_in_dim3A_816 : vector<1x576xf32> to vector<128x576xf32>
    %add3A_955 = vector.broadcast %slice3A_953 : vector<128x1xf32> to vector<128x576xf32>
    %add3A_956 = arith.addf %add3A_954, %add3A_955 : vector<128x576xf32>
    %slice3A_957 = vector.extract_strided_slice %dot_general3A_818 {offsets = [768, 0], sizes = [128, 576], strides = [1, 1]} : vector<1024x576xf32> to vector<128x576xf32>
    %sub3A_958 = arith.subf %add3A_956, %slice3A_957 : vector<128x576xf32>
    %reduce_min3A_959 = arith.constant dense<0x7F800000> : vector<576xf32>
    %reduce_min3A_960 = vector.multi_reduction <minimumf>, %sub3A_958, %reduce_min3A_959 [0] : vector<128x576xf32> to vector<576xf32>
    %broadcast_in_dim3A_961 = vector.shape_cast %reduce_min3A_960 : vector<576xf32> to vector<1x576xf32>
    %eq3A_962 = vector.broadcast %broadcast_in_dim3A_961 : vector<1x576xf32> to vector<128x576xf32>
    %eq3A_963 = arith.cmpf oeq, %sub3A_958, %eq3A_962 : vector<128x576xf32>
    %jit3A_964 = arith.constant 128 : i32
    %broadcast_in_dim3A_965 = vector.broadcast %jit3A_964 : i32 to vector<128x576xi32>
    %select_n3A_966 = arith.select %eq3A_963, %iota3A, %broadcast_in_dim3A_965 : vector<128x576xi1>, vector<128x576xi32>
    %reduce_min3A_967 = arith.constant dense<2147483647> : vector<576xi32>
    %reduce_min3A_968 = vector.multi_reduction <minsi>, %select_n3A_966, %reduce_min3A_967 [0] : vector<128x576xi32> to vector<576xi32>
    %add3A_969 = arith.constant 768 : i32
    %add3A_970 = vector.broadcast %add3A_969 : i32 to vector<576xi32>
    %add3A_971 = arith.addi %reduce_min3A_968, %add3A_970 : vector<576xi32>
    %lt3A_972 = arith.cmpf olt, %broadcast_in_dim3A_961, %select_n3A_952 : vector<1x576xf32>
    %squeeze3A_973 = vector.shape_cast %lt3A_972 : vector<1x576xi1> to vector<576xi1>
    %select_n3A_974 = arith.select %squeeze3A_973, %add3A_971, %select_n3A_951 : vector<576xi1>, vector<576xi32>
    %select_n3A_975 = arith.select %lt3A_972, %broadcast_in_dim3A_961, %select_n3A_952 : vector<1x576xi1>, vector<1x576xf32>
    %slice3A_976 = vector.extract_strided_slice %get3A_4 {offsets = [896, 0], sizes = [128, 1], strides = [1, 1]} : vector<1024x1xf32> to vector<128x1xf32>
    %add3A_977 = vector.broadcast %broadcast_in_dim3A_816 : vector<1x576xf32> to vector<128x576xf32>
    %add3A_978 = vector.broadcast %slice3A_976 : vector<128x1xf32> to vector<128x576xf32>
    %add3A_979 = arith.addf %add3A_977, %add3A_978 : vector<128x576xf32>
    %slice3A_980 = vector.extract_strided_slice %dot_general3A_818 {offsets = [896, 0], sizes = [128, 576], strides = [1, 1]} : vector<1024x576xf32> to vector<128x576xf32>
    %sub3A_981 = arith.subf %add3A_979, %slice3A_980 : vector<128x576xf32>
    %reduce_min3A_982 = arith.constant dense<0x7F800000> : vector<576xf32>
    %reduce_min3A_983 = vector.multi_reduction <minimumf>, %sub3A_981, %reduce_min3A_982 [0] : vector<128x576xf32> to vector<576xf32>
    %broadcast_in_dim3A_984 = vector.shape_cast %reduce_min3A_983 : vector<576xf32> to vector<1x576xf32>
    %eq3A_985 = vector.broadcast %broadcast_in_dim3A_984 : vector<1x576xf32> to vector<128x576xf32>
    %eq3A_986 = arith.cmpf oeq, %sub3A_981, %eq3A_985 : vector<128x576xf32>
    %jit3A_987 = arith.constant 128 : i32
    %broadcast_in_dim3A_988 = vector.broadcast %jit3A_987 : i32 to vector<128x576xi32>
    %select_n3A_989 = arith.select %eq3A_986, %iota3A, %broadcast_in_dim3A_988 : vector<128x576xi1>, vector<128x576xi32>
    %reduce_min3A_990 = arith.constant dense<2147483647> : vector<576xi32>
    %reduce_min3A_991 = vector.multi_reduction <minsi>, %select_n3A_989, %reduce_min3A_990 [0] : vector<128x576xi32> to vector<576xi32>
    %add3A_992 = arith.constant 896 : i32
    %add3A_993 = vector.broadcast %add3A_992 : i32 to vector<576xi32>
    %add3A_994 = arith.addi %reduce_min3A_991, %add3A_993 : vector<576xi32>
    %lt3A_995 = arith.cmpf olt, %broadcast_in_dim3A_984, %select_n3A_975 : vector<1x576xf32>
    %squeeze3A_996 = vector.shape_cast %lt3A_995 : vector<1x576xi1> to vector<576xi1>
    %select_n3A_997 = arith.select %squeeze3A_996, %add3A_994, %select_n3A_974 : vector<576xi1>, vector<576xi32>
    %select_n3A_998 = arith.select %lt3A_995, %broadcast_in_dim3A_984, %select_n3A_975 : vector<1x576xi1>, vector<1x576xf32>
    %swap3A_999 = arith.constant 0 : index
    %swap3A_1000 = arith.constant 4 : index
    %swap3A_1001 = arith.constant 0 : index
    %swap3A_1002 = vector.load %arg4[%swap3A_999, %swap3A_1000, %swap3A_1001] : memref<1x8x576xi32, #tpu.memory_space<vmem>>, vector<1x1x576xi32>
    %swap3A_1003 = vector.shape_cast %swap3A_1002 : vector<1x1x576xi32> to vector<576xi32>
    %swap3A_1004 = vector.shape_cast %select_n3A_997 : vector<576xi32> to vector<1x1x576xi32>
    tpu.vector_store %arg4[%swap3A_999, %swap3A_1000, %swap3A_1001], %swap3A_1004 {strides = array<i32>} : memref<1x8x576xi32, #tpu.memory_space<vmem>>, vector<1x1x576xi32>,
    %reduce_sum3A_1005 = vector.shape_cast %select_n3A_998 : vector<1x576xf32> to vector<1x1x576xf32>
    %reduce_sum3A_1006 = arith.constant dense<0.000000e+00> : vector<1xf32>
    %reduce_sum3A_1007 = vector.multi_reduction <add>, %reduce_sum3A_1005, %reduce_sum3A_1006 [1, 2] : vector<1x1x576xf32> to vector<1xf32>
    %reduce_sum3A_1008 = vector.shape_cast %reduce_sum3A_1007 : vector<1xf32> to vector<1x1x1xf32>
    %reduce_sum3A_1009 = vector.extract %reduce_sum3A_1008[0, 0, 0] : f32 from vector<1x1x1xf32>
    %reshape3A_1010 = vector.broadcast %reduce_sum3A_1009 : f32 to vector<1x1xf32>
    %add3A_1011 = arith.addf %add3A_807, %reshape3A_1010 : vector<1x1xf32>
    %get3A_1012 = arith.constant 5 : index
    %get3A_1013 = arith.constant 0 : index
    %get3A_1014 = arith.constant 0 : index
    %get3A_1015 = vector.load %arg1[%get3A_1012, %get3A_1013, %get3A_1014] : memref<8x64x576xf32, #tpu.memory_space<vmem>>, vector<1x64x576xf32>
    %get3A_1016 = vector.shape_cast %get3A_1015 : vector<1x64x576xf32> to vector<64x576xf32>
    %mul3A_1017 = arith.mulf %get3A_1016, %get3A_1016 : vector<64x576xf32>
    %reduce_sum3A_1018 = arith.constant dense<0.000000e+00> : vector<576xf32>
    %reduce_sum3A_1019 = vector.multi_reduction <add>, %mul3A_1017, %reduce_sum3A_1018 [0] : vector<64x576xf32> to vector<576xf32>
    %broadcast_in_dim3A_1020 = vector.shape_cast %reduce_sum3A_1019 : vector<576xf32> to vector<1x576xf32>
    %dot_general3A_1021 = arith.constant dense<0.000000e+00> : vector<1024x576xf32>
    %dot_general3A_1022 = tpu.matmul %get3A_1, %get3A_1016, %dot_general3A_1021 {dimension_numbers = #tpu.dot_dimension_numbers<[1], [0], [0], [1], [0, 0, 1, 1], [], []>, transpose_lhs_hint = false} : vector<1024x64xf32>, vector<64x576xf32>, vector<1024x576xf32> -> vector<1024x576xf32>
    %slice3A_1023 = vector.extract_strided_slice %get3A_4 {offsets = [0, 0], sizes = [128, 1], strides = [1, 1]} : vector<1024x1xf32> to vector<128x1xf32>
    %add3A_1024 = vector.broadcast %broadcast_in_dim3A_1020 : vector<1x576xf32> to vector<128x576xf32>
    %add3A_1025 = vector.broadcast %slice3A_1023 : vector<128x1xf32> to vector<128x576xf32>
    %add3A_1026 = arith.addf %add3A_1024, %add3A_1025 : vector<128x576xf32>
    %slice3A_1027 = vector.extract_strided_slice %dot_general3A_1022 {offsets = [0, 0], sizes = [128, 576], strides = [1, 1]} : vector<1024x576xf32> to vector<128x576xf32>
    %sub3A_1028 = arith.subf %add3A_1026, %slice3A_1027 : vector<128x576xf32>
    %reduce_min3A_1029 = arith.constant dense<0x7F800000> : vector<576xf32>
    %reduce_min3A_1030 = vector.multi_reduction <minimumf>, %sub3A_1028, %reduce_min3A_1029 [0] : vector<128x576xf32> to vector<576xf32>
    %broadcast_in_dim3A_1031 = vector.shape_cast %reduce_min3A_1030 : vector<576xf32> to vector<1x576xf32>
    %eq3A_1032 = vector.broadcast %broadcast_in_dim3A_1031 : vector<1x576xf32> to vector<128x576xf32>
    %eq3A_1033 = arith.cmpf oeq, %sub3A_1028, %eq3A_1032 : vector<128x576xf32>
    %jit3A_1034 = arith.constant 128 : i32
    %broadcast_in_dim3A_1035 = vector.broadcast %jit3A_1034 : i32 to vector<128x576xi32>
    %select_n3A_1036 = arith.select %eq3A_1033, %iota3A, %broadcast_in_dim3A_1035 : vector<128x576xi1>, vector<128x576xi32>
    %reduce_min3A_1037 = arith.constant dense<2147483647> : vector<576xi32>
    %reduce_min3A_1038 = vector.multi_reduction <minsi>, %select_n3A_1036, %reduce_min3A_1037 [0] : vector<128x576xi32> to vector<576xi32>
    %add3A_1039 = arith.constant 0 : i32
    %add3A_1040 = vector.broadcast %add3A_1039 : i32 to vector<576xi32>
    %add3A_1041 = arith.addi %reduce_min3A_1038, %add3A_1040 : vector<576xi32>
    %slice3A_1042 = vector.extract_strided_slice %get3A_4 {offsets = [128, 0], sizes = [128, 1], strides = [1, 1]} : vector<1024x1xf32> to vector<128x1xf32>
    %add3A_1043 = vector.broadcast %broadcast_in_dim3A_1020 : vector<1x576xf32> to vector<128x576xf32>
    %add3A_1044 = vector.broadcast %slice3A_1042 : vector<128x1xf32> to vector<128x576xf32>
    %add3A_1045 = arith.addf %add3A_1043, %add3A_1044 : vector<128x576xf32>
    %slice3A_1046 = vector.extract_strided_slice %dot_general3A_1022 {offsets = [128, 0], sizes = [128, 576], strides = [1, 1]} : vector<1024x576xf32> to vector<128x576xf32>
    %sub3A_1047 = arith.subf %add3A_1045, %slice3A_1046 : vector<128x576xf32>
    %reduce_min3A_1048 = arith.constant dense<0x7F800000> : vector<576xf32>
    %reduce_min3A_1049 = vector.multi_reduction <minimumf>, %sub3A_1047, %reduce_min3A_1048 [0] : vector<128x576xf32> to vector<576xf32>
    %broadcast_in_dim3A_1050 = vector.shape_cast %reduce_min3A_1049 : vector<576xf32> to vector<1x576xf32>
    %eq3A_1051 = vector.broadcast %broadcast_in_dim3A_1050 : vector<1x576xf32> to vector<128x576xf32>
    %eq3A_1052 = arith.cmpf oeq, %sub3A_1047, %eq3A_1051 : vector<128x576xf32>
    %jit3A_1053 = arith.constant 128 : i32
    %broadcast_in_dim3A_1054 = vector.broadcast %jit3A_1053 : i32 to vector<128x576xi32>
    %select_n3A_1055 = arith.select %eq3A_1052, %iota3A, %broadcast_in_dim3A_1054 : vector<128x576xi1>, vector<128x576xi32>
    %reduce_min3A_1056 = arith.constant dense<2147483647> : vector<576xi32>
    %reduce_min3A_1057 = vector.multi_reduction <minsi>, %select_n3A_1055, %reduce_min3A_1056 [0] : vector<128x576xi32> to vector<576xi32>
    %add3A_1058 = arith.constant 128 : i32
    %add3A_1059 = vector.broadcast %add3A_1058 : i32 to vector<576xi32>
    %add3A_1060 = arith.addi %reduce_min3A_1057, %add3A_1059 : vector<576xi32>
    %lt3A_1061 = arith.cmpf olt, %broadcast_in_dim3A_1050, %broadcast_in_dim3A_1031 : vector<1x576xf32>
    %squeeze3A_1062 = vector.shape_cast %lt3A_1061 : vector<1x576xi1> to vector<576xi1>
    %select_n3A_1063 = arith.select %squeeze3A_1062, %add3A_1060, %add3A_1041 : vector<576xi1>, vector<576xi32>
    %select_n3A_1064 = arith.select %lt3A_1061, %broadcast_in_dim3A_1050, %broadcast_in_dim3A_1031 : vector<1x576xi1>, vector<1x576xf32>
    %slice3A_1065 = vector.extract_strided_slice %get3A_4 {offsets = [256, 0], sizes = [128, 1], strides = [1, 1]} : vector<1024x1xf32> to vector<128x1xf32>
    %add3A_1066 = vector.broadcast %broadcast_in_dim3A_1020 : vector<1x576xf32> to vector<128x576xf32>
    %add3A_1067 = vector.broadcast %slice3A_1065 : vector<128x1xf32> to vector<128x576xf32>
    %add3A_1068 = arith.addf %add3A_1066, %add3A_1067 : vector<128x576xf32>
    %slice3A_1069 = vector.extract_strided_slice %dot_general3A_1022 {offsets = [256, 0], sizes = [128, 576], strides = [1, 1]} : vector<1024x576xf32> to vector<128x576xf32>
    %sub3A_1070 = arith.subf %add3A_1068, %slice3A_1069 : vector<128x576xf32>
    %reduce_min3A_1071 = arith.constant dense<0x7F800000> : vector<576xf32>
    %reduce_min3A_1072 = vector.multi_reduction <minimumf>, %sub3A_1070, %reduce_min3A_1071 [0] : vector<128x576xf32> to vector<576xf32>
    %broadcast_in_dim3A_1073 = vector.shape_cast %reduce_min3A_1072 : vector<576xf32> to vector<1x576xf32>
    %eq3A_1074 = vector.broadcast %broadcast_in_dim3A_1073 : vector<1x576xf32> to vector<128x576xf32>
    %eq3A_1075 = arith.cmpf oeq, %sub3A_1070, %eq3A_1074 : vector<128x576xf32>
    %jit3A_1076 = arith.constant 128 : i32
    %broadcast_in_dim3A_1077 = vector.broadcast %jit3A_1076 : i32 to vector<128x576xi32>
    %select_n3A_1078 = arith.select %eq3A_1075, %iota3A, %broadcast_in_dim3A_1077 : vector<128x576xi1>, vector<128x576xi32>
    %reduce_min3A_1079 = arith.constant dense<2147483647> : vector<576xi32>
    %reduce_min3A_1080 = vector.multi_reduction <minsi>, %select_n3A_1078, %reduce_min3A_1079 [0] : vector<128x576xi32> to vector<576xi32>
    %add3A_1081 = arith.constant 256 : i32
    %add3A_1082 = vector.broadcast %add3A_1081 : i32 to vector<576xi32>
    %add3A_1083 = arith.addi %reduce_min3A_1080, %add3A_1082 : vector<576xi32>
    %lt3A_1084 = arith.cmpf olt, %broadcast_in_dim3A_1073, %select_n3A_1064 : vector<1x576xf32>
    %squeeze3A_1085 = vector.shape_cast %lt3A_1084 : vector<1x576xi1> to vector<576xi1>
    %select_n3A_1086 = arith.select %squeeze3A_1085, %add3A_1083, %select_n3A_1063 : vector<576xi1>, vector<576xi32>
    %select_n3A_1087 = arith.select %lt3A_1084, %broadcast_in_dim3A_1073, %select_n3A_1064 : vector<1x576xi1>, vector<1x576xf32>
    %slice3A_1088 = vector.extract_strided_slice %get3A_4 {offsets = [384, 0], sizes = [128, 1], strides = [1, 1]} : vector<1024x1xf32> to vector<128x1xf32>
    %add3A_1089 = vector.broadcast %broadcast_in_dim3A_1020 : vector<1x576xf32> to vector<128x576xf32>
    %add3A_1090 = vector.broadcast %slice3A_1088 : vector<128x1xf32> to vector<128x576xf32>
    %add3A_1091 = arith.addf %add3A_1089, %add3A_1090 : vector<128x576xf32>
    %slice3A_1092 = vector.extract_strided_slice %dot_general3A_1022 {offsets = [384, 0], sizes = [128, 576], strides = [1, 1]} : vector<1024x576xf32> to vector<128x576xf32>
    %sub3A_1093 = arith.subf %add3A_1091, %slice3A_1092 : vector<128x576xf32>
    %reduce_min3A_1094 = arith.constant dense<0x7F800000> : vector<576xf32>
    %reduce_min3A_1095 = vector.multi_reduction <minimumf>, %sub3A_1093, %reduce_min3A_1094 [0] : vector<128x576xf32> to vector<576xf32>
    %broadcast_in_dim3A_1096 = vector.shape_cast %reduce_min3A_1095 : vector<576xf32> to vector<1x576xf32>
    %eq3A_1097 = vector.broadcast %broadcast_in_dim3A_1096 : vector<1x576xf32> to vector<128x576xf32>
    %eq3A_1098 = arith.cmpf oeq, %sub3A_1093, %eq3A_1097 : vector<128x576xf32>
    %jit3A_1099 = arith.constant 128 : i32
    %broadcast_in_dim3A_1100 = vector.broadcast %jit3A_1099 : i32 to vector<128x576xi32>
    %select_n3A_1101 = arith.select %eq3A_1098, %iota3A, %broadcast_in_dim3A_1100 : vector<128x576xi1>, vector<128x576xi32>
    %reduce_min3A_1102 = arith.constant dense<2147483647> : vector<576xi32>
    %reduce_min3A_1103 = vector.multi_reduction <minsi>, %select_n3A_1101, %reduce_min3A_1102 [0] : vector<128x576xi32> to vector<576xi32>
    %add3A_1104 = arith.constant 384 : i32
    %add3A_1105 = vector.broadcast %add3A_1104 : i32 to vector<576xi32>
    %add3A_1106 = arith.addi %reduce_min3A_1103, %add3A_1105 : vector<576xi32>
    %lt3A_1107 = arith.cmpf olt, %broadcast_in_dim3A_1096, %select_n3A_1087 : vector<1x576xf32>
    %squeeze3A_1108 = vector.shape_cast %lt3A_1107 : vector<1x576xi1> to vector<576xi1>
    %select_n3A_1109 = arith.select %squeeze3A_1108, %add3A_1106, %select_n3A_1086 : vector<576xi1>, vector<576xi32>
    %select_n3A_1110 = arith.select %lt3A_1107, %broadcast_in_dim3A_1096, %select_n3A_1087 : vector<1x576xi1>, vector<1x576xf32>
    %slice3A_1111 = vector.extract_strided_slice %get3A_4 {offsets = [512, 0], sizes = [128, 1], strides = [1, 1]} : vector<1024x1xf32> to vector<128x1xf32>
    %add3A_1112 = vector.broadcast %broadcast_in_dim3A_1020 : vector<1x576xf32> to vector<128x576xf32>
    %add3A_1113 = vector.broadcast %slice3A_1111 : vector<128x1xf32> to vector<128x576xf32>
    %add3A_1114 = arith.addf %add3A_1112, %add3A_1113 : vector<128x576xf32>
    %slice3A_1115 = vector.extract_strided_slice %dot_general3A_1022 {offsets = [512, 0], sizes = [128, 576], strides = [1, 1]} : vector<1024x576xf32> to vector<128x576xf32>
    %sub3A_1116 = arith.subf %add3A_1114, %slice3A_1115 : vector<128x576xf32>
    %reduce_min3A_1117 = arith.constant dense<0x7F800000> : vector<576xf32>
    %reduce_min3A_1118 = vector.multi_reduction <minimumf>, %sub3A_1116, %reduce_min3A_1117 [0] : vector<128x576xf32> to vector<576xf32>
    %broadcast_in_dim3A_1119 = vector.shape_cast %reduce_min3A_1118 : vector<576xf32> to vector<1x576xf32>
    %eq3A_1120 = vector.broadcast %broadcast_in_dim3A_1119 : vector<1x576xf32> to vector<128x576xf32>
    %eq3A_1121 = arith.cmpf oeq, %sub3A_1116, %eq3A_1120 : vector<128x576xf32>
    %jit3A_1122 = arith.constant 128 : i32
    %broadcast_in_dim3A_1123 = vector.broadcast %jit3A_1122 : i32 to vector<128x576xi32>
    %select_n3A_1124 = arith.select %eq3A_1121, %iota3A, %broadcast_in_dim3A_1123 : vector<128x576xi1>, vector<128x576xi32>
    %reduce_min3A_1125 = arith.constant dense<2147483647> : vector<576xi32>
    %reduce_min3A_1126 = vector.multi_reduction <minsi>, %select_n3A_1124, %reduce_min3A_1125 [0] : vector<128x576xi32> to vector<576xi32>
    %add3A_1127 = arith.constant 512 : i32
    %add3A_1128 = vector.broadcast %add3A_1127 : i32 to vector<576xi32>
    %add3A_1129 = arith.addi %reduce_min3A_1126, %add3A_1128 : vector<576xi32>
    %lt3A_1130 = arith.cmpf olt, %broadcast_in_dim3A_1119, %select_n3A_1110 : vector<1x576xf32>
    %squeeze3A_1131 = vector.shape_cast %lt3A_1130 : vector<1x576xi1> to vector<576xi1>
    %select_n3A_1132 = arith.select %squeeze3A_1131, %add3A_1129, %select_n3A_1109 : vector<576xi1>, vector<576xi32>
    %select_n3A_1133 = arith.select %lt3A_1130, %broadcast_in_dim3A_1119, %select_n3A_1110 : vector<1x576xi1>, vector<1x576xf32>
    %slice3A_1134 = vector.extract_strided_slice %get3A_4 {offsets = [640, 0], sizes = [128, 1], strides = [1, 1]} : vector<1024x1xf32> to vector<128x1xf32>
    %add3A_1135 = vector.broadcast %broadcast_in_dim3A_1020 : vector<1x576xf32> to vector<128x576xf32>
    %add3A_1136 = vector.broadcast %slice3A_1134 : vector<128x1xf32> to vector<128x576xf32>
    %add3A_1137 = arith.addf %add3A_1135, %add3A_1136 : vector<128x576xf32>
    %slice3A_1138 = vector.extract_strided_slice %dot_general3A_1022 {offsets = [640, 0], sizes = [128, 576], strides = [1, 1]} : vector<1024x576xf32> to vector<128x576xf32>
    %sub3A_1139 = arith.subf %add3A_1137, %slice3A_1138 : vector<128x576xf32>
    %reduce_min3A_1140 = arith.constant dense<0x7F800000> : vector<576xf32>
    %reduce_min3A_1141 = vector.multi_reduction <minimumf>, %sub3A_1139, %reduce_min3A_1140 [0] : vector<128x576xf32> to vector<576xf32>
    %broadcast_in_dim3A_1142 = vector.shape_cast %reduce_min3A_1141 : vector<576xf32> to vector<1x576xf32>
    %eq3A_1143 = vector.broadcast %broadcast_in_dim3A_1142 : vector<1x576xf32> to vector<128x576xf32>
    %eq3A_1144 = arith.cmpf oeq, %sub3A_1139, %eq3A_1143 : vector<128x576xf32>
    %jit3A_1145 = arith.constant 128 : i32
    %broadcast_in_dim3A_1146 = vector.broadcast %jit3A_1145 : i32 to vector<128x576xi32>
    %select_n3A_1147 = arith.select %eq3A_1144, %iota3A, %broadcast_in_dim3A_1146 : vector<128x576xi1>, vector<128x576xi32>
    %reduce_min3A_1148 = arith.constant dense<2147483647> : vector<576xi32>
    %reduce_min3A_1149 = vector.multi_reduction <minsi>, %select_n3A_1147, %reduce_min3A_1148 [0] : vector<128x576xi32> to vector<576xi32>
    %add3A_1150 = arith.constant 640 : i32
    %add3A_1151 = vector.broadcast %add3A_1150 : i32 to vector<576xi32>
    %add3A_1152 = arith.addi %reduce_min3A_1149, %add3A_1151 : vector<576xi32>
    %lt3A_1153 = arith.cmpf olt, %broadcast_in_dim3A_1142, %select_n3A_1133 : vector<1x576xf32>
    %squeeze3A_1154 = vector.shape_cast %lt3A_1153 : vector<1x576xi1> to vector<576xi1>
    %select_n3A_1155 = arith.select %squeeze3A_1154, %add3A_1152, %select_n3A_1132 : vector<576xi1>, vector<576xi32>
    %select_n3A_1156 = arith.select %lt3A_1153, %broadcast_in_dim3A_1142, %select_n3A_1133 : vector<1x576xi1>, vector<1x576xf32>
    %slice3A_1157 = vector.extract_strided_slice %get3A_4 {offsets = [768, 0], sizes = [128, 1], strides = [1, 1]} : vector<1024x1xf32> to vector<128x1xf32>
    %add3A_1158 = vector.broadcast %broadcast_in_dim3A_1020 : vector<1x576xf32> to vector<128x576xf32>
    %add3A_1159 = vector.broadcast %slice3A_1157 : vector<128x1xf32> to vector<128x576xf32>
    %add3A_1160 = arith.addf %add3A_1158, %add3A_1159 : vector<128x576xf32>
    %slice3A_1161 = vector.extract_strided_slice %dot_general3A_1022 {offsets = [768, 0], sizes = [128, 576], strides = [1, 1]} : vector<1024x576xf32> to vector<128x576xf32>
    %sub3A_1162 = arith.subf %add3A_1160, %slice3A_1161 : vector<128x576xf32>
    %reduce_min3A_1163 = arith.constant dense<0x7F800000> : vector<576xf32>
    %reduce_min3A_1164 = vector.multi_reduction <minimumf>, %sub3A_1162, %reduce_min3A_1163 [0] : vector<128x576xf32> to vector<576xf32>
    %broadcast_in_dim3A_1165 = vector.shape_cast %reduce_min3A_1164 : vector<576xf32> to vector<1x576xf32>
    %eq3A_1166 = vector.broadcast %broadcast_in_dim3A_1165 : vector<1x576xf32> to vector<128x576xf32>
    %eq3A_1167 = arith.cmpf oeq, %sub3A_1162, %eq3A_1166 : vector<128x576xf32>
    %jit3A_1168 = arith.constant 128 : i32
    %broadcast_in_dim3A_1169 = vector.broadcast %jit3A_1168 : i32 to vector<128x576xi32>
    %select_n3A_1170 = arith.select %eq3A_1167, %iota3A, %broadcast_in_dim3A_1169 : vector<128x576xi1>, vector<128x576xi32>
    %reduce_min3A_1171 = arith.constant dense<2147483647> : vector<576xi32>
    %reduce_min3A_1172 = vector.multi_reduction <minsi>, %select_n3A_1170, %reduce_min3A_1171 [0] : vector<128x576xi32> to vector<576xi32>
    %add3A_1173 = arith.constant 768 : i32
    %add3A_1174 = vector.broadcast %add3A_1173 : i32 to vector<576xi32>
    %add3A_1175 = arith.addi %reduce_min3A_1172, %add3A_1174 : vector<576xi32>
    %lt3A_1176 = arith.cmpf olt, %broadcast_in_dim3A_1165, %select_n3A_1156 : vector<1x576xf32>
    %squeeze3A_1177 = vector.shape_cast %lt3A_1176 : vector<1x576xi1> to vector<576xi1>
    %select_n3A_1178 = arith.select %squeeze3A_1177, %add3A_1175, %select_n3A_1155 : vector<576xi1>, vector<576xi32>
    %select_n3A_1179 = arith.select %lt3A_1176, %broadcast_in_dim3A_1165, %select_n3A_1156 : vector<1x576xi1>, vector<1x576xf32>
    %slice3A_1180 = vector.extract_strided_slice %get3A_4 {offsets = [896, 0], sizes = [128, 1], strides = [1, 1]} : vector<1024x1xf32> to vector<128x1xf32>
    %add3A_1181 = vector.broadcast %broadcast_in_dim3A_1020 : vector<1x576xf32> to vector<128x576xf32>
    %add3A_1182 = vector.broadcast %slice3A_1180 : vector<128x1xf32> to vector<128x576xf32>
    %add3A_1183 = arith.addf %add3A_1181, %add3A_1182 : vector<128x576xf32>
    %slice3A_1184 = vector.extract_strided_slice %dot_general3A_1022 {offsets = [896, 0], sizes = [128, 576], strides = [1, 1]} : vector<1024x576xf32> to vector<128x576xf32>
    %sub3A_1185 = arith.subf %add3A_1183, %slice3A_1184 : vector<128x576xf32>
    %reduce_min3A_1186 = arith.constant dense<0x7F800000> : vector<576xf32>
    %reduce_min3A_1187 = vector.multi_reduction <minimumf>, %sub3A_1185, %reduce_min3A_1186 [0] : vector<128x576xf32> to vector<576xf32>
    %broadcast_in_dim3A_1188 = vector.shape_cast %reduce_min3A_1187 : vector<576xf32> to vector<1x576xf32>
    %eq3A_1189 = vector.broadcast %broadcast_in_dim3A_1188 : vector<1x576xf32> to vector<128x576xf32>
    %eq3A_1190 = arith.cmpf oeq, %sub3A_1185, %eq3A_1189 : vector<128x576xf32>
    %jit3A_1191 = arith.constant 128 : i32
    %broadcast_in_dim3A_1192 = vector.broadcast %jit3A_1191 : i32 to vector<128x576xi32>
    %select_n3A_1193 = arith.select %eq3A_1190, %iota3A, %broadcast_in_dim3A_1192 : vector<128x576xi1>, vector<128x576xi32>
    %reduce_min3A_1194 = arith.constant dense<2147483647> : vector<576xi32>
    %reduce_min3A_1195 = vector.multi_reduction <minsi>, %select_n3A_1193, %reduce_min3A_1194 [0] : vector<128x576xi32> to vector<576xi32>
    %add3A_1196 = arith.constant 896 : i32
    %add3A_1197 = vector.broadcast %add3A_1196 : i32 to vector<576xi32>
    %add3A_1198 = arith.addi %reduce_min3A_1195, %add3A_1197 : vector<576xi32>
    %lt3A_1199 = arith.cmpf olt, %broadcast_in_dim3A_1188, %select_n3A_1179 : vector<1x576xf32>
    %squeeze3A_1200 = vector.shape_cast %lt3A_1199 : vector<1x576xi1> to vector<576xi1>
    %select_n3A_1201 = arith.select %squeeze3A_1200, %add3A_1198, %select_n3A_1178 : vector<576xi1>, vector<576xi32>
    %select_n3A_1202 = arith.select %lt3A_1199, %broadcast_in_dim3A_1188, %select_n3A_1179 : vector<1x576xi1>, vector<1x576xf32>
    %swap3A_1203 = arith.constant 0 : index
    %swap3A_1204 = arith.constant 5 : index
    %swap3A_1205 = arith.constant 0 : index
    %swap3A_1206 = vector.load %arg4[%swap3A_1203, %swap3A_1204, %swap3A_1205] : memref<1x8x576xi32, #tpu.memory_space<vmem>>, vector<1x1x576xi32>
    %swap3A_1207 = vector.shape_cast %swap3A_1206 : vector<1x1x576xi32> to vector<576xi32>
    %swap3A_1208 = vector.shape_cast %select_n3A_1201 : vector<576xi32> to vector<1x1x576xi32>
    tpu.vector_store %arg4[%swap3A_1203, %swap3A_1204, %swap3A_1205], %swap3A_1208 {strides = array<i32>} : memref<1x8x576xi32, #tpu.memory_space<vmem>>, vector<1x1x576xi32>,
    %reduce_sum3A_1209 = vector.shape_cast %select_n3A_1202 : vector<1x576xf32> to vector<1x1x576xf32>
    %reduce_sum3A_1210 = arith.constant dense<0.000000e+00> : vector<1xf32>
    %reduce_sum3A_1211 = vector.multi_reduction <add>, %reduce_sum3A_1209, %reduce_sum3A_1210 [1, 2] : vector<1x1x576xf32> to vector<1xf32>
    %reduce_sum3A_1212 = vector.shape_cast %reduce_sum3A_1211 : vector<1xf32> to vector<1x1x1xf32>
    %reduce_sum3A_1213 = vector.extract %reduce_sum3A_1212[0, 0, 0] : f32 from vector<1x1x1xf32>
    %reshape3A_1214 = vector.broadcast %reduce_sum3A_1213 : f32 to vector<1x1xf32>
    %add3A_1215 = arith.addf %add3A_1011, %reshape3A_1214 : vector<1x1xf32>
    %get3A_1216 = arith.constant 6 : index
    %get3A_1217 = arith.constant 0 : index
    %get3A_1218 = arith.constant 0 : index
    %get3A_1219 = vector.load %arg1[%get3A_1216, %get3A_1217, %get3A_1218] : memref<8x64x576xf32, #tpu.memory_space<vmem>>, vector<1x64x576xf32>
    %get3A_1220 = vector.shape_cast %get3A_1219 : vector<1x64x576xf32> to vector<64x576xf32>
    %mul3A_1221 = arith.mulf %get3A_1220, %get3A_1220 : vector<64x576xf32>
    %reduce_sum3A_1222 = arith.constant dense<0.000000e+00> : vector<576xf32>
    %reduce_sum3A_1223 = vector.multi_reduction <add>, %mul3A_1221, %reduce_sum3A_1222 [0] : vector<64x576xf32> to vector<576xf32>
    %broadcast_in_dim3A_1224 = vector.shape_cast %reduce_sum3A_1223 : vector<576xf32> to vector<1x576xf32>
    %dot_general3A_1225 = arith.constant dense<0.000000e+00> : vector<1024x576xf32>
    %dot_general3A_1226 = tpu.matmul %get3A_1, %get3A_1220, %dot_general3A_1225 {dimension_numbers = #tpu.dot_dimension_numbers<[1], [0], [0], [1], [0, 0, 1, 1], [], []>, transpose_lhs_hint = false} : vector<1024x64xf32>, vector<64x576xf32>, vector<1024x576xf32> -> vector<1024x576xf32>
    %slice3A_1227 = vector.extract_strided_slice %get3A_4 {offsets = [0, 0], sizes = [128, 1], strides = [1, 1]} : vector<1024x1xf32> to vector<128x1xf32>
    %add3A_1228 = vector.broadcast %broadcast_in_dim3A_1224 : vector<1x576xf32> to vector<128x576xf32>
    %add3A_1229 = vector.broadcast %slice3A_1227 : vector<128x1xf32> to vector<128x576xf32>
    %add3A_1230 = arith.addf %add3A_1228, %add3A_1229 : vector<128x576xf32>
    %slice3A_1231 = vector.extract_strided_slice %dot_general3A_1226 {offsets = [0, 0], sizes = [128, 576], strides = [1, 1]} : vector<1024x576xf32> to vector<128x576xf32>
    %sub3A_1232 = arith.subf %add3A_1230, %slice3A_1231 : vector<128x576xf32>
    %reduce_min3A_1233 = arith.constant dense<0x7F800000> : vector<576xf32>
    %reduce_min3A_1234 = vector.multi_reduction <minimumf>, %sub3A_1232, %reduce_min3A_1233 [0] : vector<128x576xf32> to vector<576xf32>
    %broadcast_in_dim3A_1235 = vector.shape_cast %reduce_min3A_1234 : vector<576xf32> to vector<1x576xf32>
    %eq3A_1236 = vector.broadcast %broadcast_in_dim3A_1235 : vector<1x576xf32> to vector<128x576xf32>
    %eq3A_1237 = arith.cmpf oeq, %sub3A_1232, %eq3A_1236 : vector<128x576xf32>
    %jit3A_1238 = arith.constant 128 : i32
    %broadcast_in_dim3A_1239 = vector.broadcast %jit3A_1238 : i32 to vector<128x576xi32>
    %select_n3A_1240 = arith.select %eq3A_1237, %iota3A, %broadcast_in_dim3A_1239 : vector<128x576xi1>, vector<128x576xi32>
    %reduce_min3A_1241 = arith.constant dense<2147483647> : vector<576xi32>
    %reduce_min3A_1242 = vector.multi_reduction <minsi>, %select_n3A_1240, %reduce_min3A_1241 [0] : vector<128x576xi32> to vector<576xi32>
    %add3A_1243 = arith.constant 0 : i32
    %add3A_1244 = vector.broadcast %add3A_1243 : i32 to vector<576xi32>
    %add3A_1245 = arith.addi %reduce_min3A_1242, %add3A_1244 : vector<576xi32>
    %slice3A_1246 = vector.extract_strided_slice %get3A_4 {offsets = [128, 0], sizes = [128, 1], strides = [1, 1]} : vector<1024x1xf32> to vector<128x1xf32>
    %add3A_1247 = vector.broadcast %broadcast_in_dim3A_1224 : vector<1x576xf32> to vector<128x576xf32>
    %add3A_1248 = vector.broadcast %slice3A_1246 : vector<128x1xf32> to vector<128x576xf32>
    %add3A_1249 = arith.addf %add3A_1247, %add3A_1248 : vector<128x576xf32>
    %slice3A_1250 = vector.extract_strided_slice %dot_general3A_1226 {offsets = [128, 0], sizes = [128, 576], strides = [1, 1]} : vector<1024x576xf32> to vector<128x576xf32>
    %sub3A_1251 = arith.subf %add3A_1249, %slice3A_1250 : vector<128x576xf32>
    %reduce_min3A_1252 = arith.constant dense<0x7F800000> : vector<576xf32>
    %reduce_min3A_1253 = vector.multi_reduction <minimumf>, %sub3A_1251, %reduce_min3A_1252 [0] : vector<128x576xf32> to vector<576xf32>
    %broadcast_in_dim3A_1254 = vector.shape_cast %reduce_min3A_1253 : vector<576xf32> to vector<1x576xf32>
    %eq3A_1255 = vector.broadcast %broadcast_in_dim3A_1254 : vector<1x576xf32> to vector<128x576xf32>
    %eq3A_1256 = arith.cmpf oeq, %sub3A_1251, %eq3A_1255 : vector<128x576xf32>
    %jit3A_1257 = arith.constant 128 : i32
    %broadcast_in_dim3A_1258 = vector.broadcast %jit3A_1257 : i32 to vector<128x576xi32>
    %select_n3A_1259 = arith.select %eq3A_1256, %iota3A, %broadcast_in_dim3A_1258 : vector<128x576xi1>, vector<128x576xi32>
    %reduce_min3A_1260 = arith.constant dense<2147483647> : vector<576xi32>
    %reduce_min3A_1261 = vector.multi_reduction <minsi>, %select_n3A_1259, %reduce_min3A_1260 [0] : vector<128x576xi32> to vector<576xi32>
    %add3A_1262 = arith.constant 128 : i32
    %add3A_1263 = vector.broadcast %add3A_1262 : i32 to vector<576xi32>
    %add3A_1264 = arith.addi %reduce_min3A_1261, %add3A_1263 : vector<576xi32>
    %lt3A_1265 = arith.cmpf olt, %broadcast_in_dim3A_1254, %broadcast_in_dim3A_1235 : vector<1x576xf32>
    %squeeze3A_1266 = vector.shape_cast %lt3A_1265 : vector<1x576xi1> to vector<576xi1>
    %select_n3A_1267 = arith.select %squeeze3A_1266, %add3A_1264, %add3A_1245 : vector<576xi1>, vector<576xi32>
    %select_n3A_1268 = arith.select %lt3A_1265, %broadcast_in_dim3A_1254, %broadcast_in_dim3A_1235 : vector<1x576xi1>, vector<1x576xf32>
    %slice3A_1269 = vector.extract_strided_slice %get3A_4 {offsets = [256, 0], sizes = [128, 1], strides = [1, 1]} : vector<1024x1xf32> to vector<128x1xf32>
    %add3A_1270 = vector.broadcast %broadcast_in_dim3A_1224 : vector<1x576xf32> to vector<128x576xf32>
    %add3A_1271 = vector.broadcast %slice3A_1269 : vector<128x1xf32> to vector<128x576xf32>
    %add3A_1272 = arith.addf %add3A_1270, %add3A_1271 : vector<128x576xf32>
    %slice3A_1273 = vector.extract_strided_slice %dot_general3A_1226 {offsets = [256, 0], sizes = [128, 576], strides = [1, 1]} : vector<1024x576xf32> to vector<128x576xf32>
    %sub3A_1274 = arith.subf %add3A_1272, %slice3A_1273 : vector<128x576xf32>
    %reduce_min3A_1275 = arith.constant dense<0x7F800000> : vector<576xf32>
    %reduce_min3A_1276 = vector.multi_reduction <minimumf>, %sub3A_1274, %reduce_min3A_1275 [0] : vector<128x576xf32> to vector<576xf32>
    %broadcast_in_dim3A_1277 = vector.shape_cast %reduce_min3A_1276 : vector<576xf32> to vector<1x576xf32>
    %eq3A_1278 = vector.broadcast %broadcast_in_dim3A_1277 : vector<1x576xf32> to vector<128x576xf32>
    %eq3A_1279 = arith.cmpf oeq, %sub3A_1274, %eq3A_1278 : vector<128x576xf32>
    %jit3A_1280 = arith.constant 128 : i32
    %broadcast_in_dim3A_1281 = vector.broadcast %jit3A_1280 : i32 to vector<128x576xi32>
    %select_n3A_1282 = arith.select %eq3A_1279, %iota3A, %broadcast_in_dim3A_1281 : vector<128x576xi1>, vector<128x576xi32>
    %reduce_min3A_1283 = arith.constant dense<2147483647> : vector<576xi32>
    %reduce_min3A_1284 = vector.multi_reduction <minsi>, %select_n3A_1282, %reduce_min3A_1283 [0] : vector<128x576xi32> to vector<576xi32>
    %add3A_1285 = arith.constant 256 : i32
    %add3A_1286 = vector.broadcast %add3A_1285 : i32 to vector<576xi32>
    %add3A_1287 = arith.addi %reduce_min3A_1284, %add3A_1286 : vector<576xi32>
    %lt3A_1288 = arith.cmpf olt, %broadcast_in_dim3A_1277, %select_n3A_1268 : vector<1x576xf32>
    %squeeze3A_1289 = vector.shape_cast %lt3A_1288 : vector<1x576xi1> to vector<576xi1>
    %select_n3A_1290 = arith.select %squeeze3A_1289, %add3A_1287, %select_n3A_1267 : vector<576xi1>, vector<576xi32>
    %select_n3A_1291 = arith.select %lt3A_1288, %broadcast_in_dim3A_1277, %select_n3A_1268 : vector<1x576xi1>, vector<1x576xf32>
    %slice3A_1292 = vector.extract_strided_slice %get3A_4 {offsets = [384, 0], sizes = [128, 1], strides = [1, 1]} : vector<1024x1xf32> to vector<128x1xf32>
    %add3A_1293 = vector.broadcast %broadcast_in_dim3A_1224 : vector<1x576xf32> to vector<128x576xf32>
    %add3A_1294 = vector.broadcast %slice3A_1292 : vector<128x1xf32> to vector<128x576xf32>
    %add3A_1295 = arith.addf %add3A_1293, %add3A_1294 : vector<128x576xf32>
    %slice3A_1296 = vector.extract_strided_slice %dot_general3A_1226 {offsets = [384, 0], sizes = [128, 576], strides = [1, 1]} : vector<1024x576xf32> to vector<128x576xf32>
    %sub3A_1297 = arith.subf %add3A_1295, %slice3A_1296 : vector<128x576xf32>
    %reduce_min3A_1298 = arith.constant dense<0x7F800000> : vector<576xf32>
    %reduce_min3A_1299 = vector.multi_reduction <minimumf>, %sub3A_1297, %reduce_min3A_1298 [0] : vector<128x576xf32> to vector<576xf32>
    %broadcast_in_dim3A_1300 = vector.shape_cast %reduce_min3A_1299 : vector<576xf32> to vector<1x576xf32>
    %eq3A_1301 = vector.broadcast %broadcast_in_dim3A_1300 : vector<1x576xf32> to vector<128x576xf32>
    %eq3A_1302 = arith.cmpf oeq, %sub3A_1297, %eq3A_1301 : vector<128x576xf32>
    %jit3A_1303 = arith.constant 128 : i32
    %broadcast_in_dim3A_1304 = vector.broadcast %jit3A_1303 : i32 to vector<128x576xi32>
    %select_n3A_1305 = arith.select %eq3A_1302, %iota3A, %broadcast_in_dim3A_1304 : vector<128x576xi1>, vector<128x576xi32>
    %reduce_min3A_1306 = arith.constant dense<2147483647> : vector<576xi32>
    %reduce_min3A_1307 = vector.multi_reduction <minsi>, %select_n3A_1305, %reduce_min3A_1306 [0] : vector<128x576xi32> to vector<576xi32>
    %add3A_1308 = arith.constant 384 : i32
    %add3A_1309 = vector.broadcast %add3A_1308 : i32 to vector<576xi32>
    %add3A_1310 = arith.addi %reduce_min3A_1307, %add3A_1309 : vector<576xi32>
    %lt3A_1311 = arith.cmpf olt, %broadcast_in_dim3A_1300, %select_n3A_1291 : vector<1x576xf32>
    %squeeze3A_1312 = vector.shape_cast %lt3A_1311 : vector<1x576xi1> to vector<576xi1>
    %select_n3A_1313 = arith.select %squeeze3A_1312, %add3A_1310, %select_n3A_1290 : vector<576xi1>, vector<576xi32>
    %select_n3A_1314 = arith.select %lt3A_1311, %broadcast_in_dim3A_1300, %select_n3A_1291 : vector<1x576xi1>, vector<1x576xf32>
    %slice3A_1315 = vector.extract_strided_slice %get3A_4 {offsets = [512, 0], sizes = [128, 1], strides = [1, 1]} : vector<1024x1xf32> to vector<128x1xf32>
    %add3A_1316 = vector.broadcast %broadcast_in_dim3A_1224 : vector<1x576xf32> to vector<128x576xf32>
    %add3A_1317 = vector.broadcast %slice3A_1315 : vector<128x1xf32> to vector<128x576xf32>
    %add3A_1318 = arith.addf %add3A_1316, %add3A_1317 : vector<128x576xf32>
    %slice3A_1319 = vector.extract_strided_slice %dot_general3A_1226 {offsets = [512, 0], sizes = [128, 576], strides = [1, 1]} : vector<1024x576xf32> to vector<128x576xf32>
    %sub3A_1320 = arith.subf %add3A_1318, %slice3A_1319 : vector<128x576xf32>
    %reduce_min3A_1321 = arith.constant dense<0x7F800000> : vector<576xf32>
    %reduce_min3A_1322 = vector.multi_reduction <minimumf>, %sub3A_1320, %reduce_min3A_1321 [0] : vector<128x576xf32> to vector<576xf32>
    %broadcast_in_dim3A_1323 = vector.shape_cast %reduce_min3A_1322 : vector<576xf32> to vector<1x576xf32>
    %eq3A_1324 = vector.broadcast %broadcast_in_dim3A_1323 : vector<1x576xf32> to vector<128x576xf32>
    %eq3A_1325 = arith.cmpf oeq, %sub3A_1320, %eq3A_1324 : vector<128x576xf32>
    %jit3A_1326 = arith.constant 128 : i32
    %broadcast_in_dim3A_1327 = vector.broadcast %jit3A_1326 : i32 to vector<128x576xi32>
    %select_n3A_1328 = arith.select %eq3A_1325, %iota3A, %broadcast_in_dim3A_1327 : vector<128x576xi1>, vector<128x576xi32>
    %reduce_min3A_1329 = arith.constant dense<2147483647> : vector<576xi32>
    %reduce_min3A_1330 = vector.multi_reduction <minsi>, %select_n3A_1328, %reduce_min3A_1329 [0] : vector<128x576xi32> to vector<576xi32>
    %add3A_1331 = arith.constant 512 : i32
    %add3A_1332 = vector.broadcast %add3A_1331 : i32 to vector<576xi32>
    %add3A_1333 = arith.addi %reduce_min3A_1330, %add3A_1332 : vector<576xi32>
    %lt3A_1334 = arith.cmpf olt, %broadcast_in_dim3A_1323, %select_n3A_1314 : vector<1x576xf32>
    %squeeze3A_1335 = vector.shape_cast %lt3A_1334 : vector<1x576xi1> to vector<576xi1>
    %select_n3A_1336 = arith.select %squeeze3A_1335, %add3A_1333, %select_n3A_1313 : vector<576xi1>, vector<576xi32>
    %select_n3A_1337 = arith.select %lt3A_1334, %broadcast_in_dim3A_1323, %select_n3A_1314 : vector<1x576xi1>, vector<1x576xf32>
    %slice3A_1338 = vector.extract_strided_slice %get3A_4 {offsets = [640, 0], sizes = [128, 1], strides = [1, 1]} : vector<1024x1xf32> to vector<128x1xf32>
    %add3A_1339 = vector.broadcast %broadcast_in_dim3A_1224 : vector<1x576xf32> to vector<128x576xf32>
    %add3A_1340 = vector.broadcast %slice3A_1338 : vector<128x1xf32> to vector<128x576xf32>
    %add3A_1341 = arith.addf %add3A_1339, %add3A_1340 : vector<128x576xf32>
    %slice3A_1342 = vector.extract_strided_slice %dot_general3A_1226 {offsets = [640, 0], sizes = [128, 576], strides = [1, 1]} : vector<1024x576xf32> to vector<128x576xf32>
    %sub3A_1343 = arith.subf %add3A_1341, %slice3A_1342 : vector<128x576xf32>
    %reduce_min3A_1344 = arith.constant dense<0x7F800000> : vector<576xf32>
    %reduce_min3A_1345 = vector.multi_reduction <minimumf>, %sub3A_1343, %reduce_min3A_1344 [0] : vector<128x576xf32> to vector<576xf32>
    %broadcast_in_dim3A_1346 = vector.shape_cast %reduce_min3A_1345 : vector<576xf32> to vector<1x576xf32>
    %eq3A_1347 = vector.broadcast %broadcast_in_dim3A_1346 : vector<1x576xf32> to vector<128x576xf32>
    %eq3A_1348 = arith.cmpf oeq, %sub3A_1343, %eq3A_1347 : vector<128x576xf32>
    %jit3A_1349 = arith.constant 128 : i32
    %broadcast_in_dim3A_1350 = vector.broadcast %jit3A_1349 : i32 to vector<128x576xi32>
    %select_n3A_1351 = arith.select %eq3A_1348, %iota3A, %broadcast_in_dim3A_1350 : vector<128x576xi1>, vector<128x576xi32>
    %reduce_min3A_1352 = arith.constant dense<2147483647> : vector<576xi32>
    %reduce_min3A_1353 = vector.multi_reduction <minsi>, %select_n3A_1351, %reduce_min3A_1352 [0] : vector<128x576xi32> to vector<576xi32>
    %add3A_1354 = arith.constant 640 : i32
    %add3A_1355 = vector.broadcast %add3A_1354 : i32 to vector<576xi32>
    %add3A_1356 = arith.addi %reduce_min3A_1353, %add3A_1355 : vector<576xi32>
    %lt3A_1357 = arith.cmpf olt, %broadcast_in_dim3A_1346, %select_n3A_1337 : vector<1x576xf32>
    %squeeze3A_1358 = vector.shape_cast %lt3A_1357 : vector<1x576xi1> to vector<576xi1>
    %select_n3A_1359 = arith.select %squeeze3A_1358, %add3A_1356, %select_n3A_1336 : vector<576xi1>, vector<576xi32>
    %select_n3A_1360 = arith.select %lt3A_1357, %broadcast_in_dim3A_1346, %select_n3A_1337 : vector<1x576xi1>, vector<1x576xf32>
    %slice3A_1361 = vector.extract_strided_slice %get3A_4 {offsets = [768, 0], sizes = [128, 1], strides = [1, 1]} : vector<1024x1xf32> to vector<128x1xf32>
    %add3A_1362 = vector.broadcast %broadcast_in_dim3A_1224 : vector<1x576xf32> to vector<128x576xf32>
    %add3A_1363 = vector.broadcast %slice3A_1361 : vector<128x1xf32> to vector<128x576xf32>
    %add3A_1364 = arith.addf %add3A_1362, %add3A_1363 : vector<128x576xf32>
    %slice3A_1365 = vector.extract_strided_slice %dot_general3A_1226 {offsets = [768, 0], sizes = [128, 576], strides = [1, 1]} : vector<1024x576xf32> to vector<128x576xf32>
    %sub3A_1366 = arith.subf %add3A_1364, %slice3A_1365 : vector<128x576xf32>
    %reduce_min3A_1367 = arith.constant dense<0x7F800000> : vector<576xf32>
    %reduce_min3A_1368 = vector.multi_reduction <minimumf>, %sub3A_1366, %reduce_min3A_1367 [0] : vector<128x576xf32> to vector<576xf32>
    %broadcast_in_dim3A_1369 = vector.shape_cast %reduce_min3A_1368 : vector<576xf32> to vector<1x576xf32>
    %eq3A_1370 = vector.broadcast %broadcast_in_dim3A_1369 : vector<1x576xf32> to vector<128x576xf32>
    %eq3A_1371 = arith.cmpf oeq, %sub3A_1366, %eq3A_1370 : vector<128x576xf32>
    %jit3A_1372 = arith.constant 128 : i32
    %broadcast_in_dim3A_1373 = vector.broadcast %jit3A_1372 : i32 to vector<128x576xi32>
    %select_n3A_1374 = arith.select %eq3A_1371, %iota3A, %broadcast_in_dim3A_1373 : vector<128x576xi1>, vector<128x576xi32>
    %reduce_min3A_1375 = arith.constant dense<2147483647> : vector<576xi32>
    %reduce_min3A_1376 = vector.multi_reduction <minsi>, %select_n3A_1374, %reduce_min3A_1375 [0] : vector<128x576xi32> to vector<576xi32>
    %add3A_1377 = arith.constant 768 : i32
    %add3A_1378 = vector.broadcast %add3A_1377 : i32 to vector<576xi32>
    %add3A_1379 = arith.addi %reduce_min3A_1376, %add3A_1378 : vector<576xi32>
    %lt3A_1380 = arith.cmpf olt, %broadcast_in_dim3A_1369, %select_n3A_1360 : vector<1x576xf32>
    %squeeze3A_1381 = vector.shape_cast %lt3A_1380 : vector<1x576xi1> to vector<576xi1>
    %select_n3A_1382 = arith.select %squeeze3A_1381, %add3A_1379, %select_n3A_1359 : vector<576xi1>, vector<576xi32>
    %select_n3A_1383 = arith.select %lt3A_1380, %broadcast_in_dim3A_1369, %select_n3A_1360 : vector<1x576xi1>, vector<1x576xf32>
    %slice3A_1384 = vector.extract_strided_slice %get3A_4 {offsets = [896, 0], sizes = [128, 1], strides = [1, 1]} : vector<1024x1xf32> to vector<128x1xf32>
    %add3A_1385 = vector.broadcast %broadcast_in_dim3A_1224 : vector<1x576xf32> to vector<128x576xf32>
    %add3A_1386 = vector.broadcast %slice3A_1384 : vector<128x1xf32> to vector<128x576xf32>
    %add3A_1387 = arith.addf %add3A_1385, %add3A_1386 : vector<128x576xf32>
    %slice3A_1388 = vector.extract_strided_slice %dot_general3A_1226 {offsets = [896, 0], sizes = [128, 576], strides = [1, 1]} : vector<1024x576xf32> to vector<128x576xf32>
    %sub3A_1389 = arith.subf %add3A_1387, %slice3A_1388 : vector<128x576xf32>
    %reduce_min3A_1390 = arith.constant dense<0x7F800000> : vector<576xf32>
    %reduce_min3A_1391 = vector.multi_reduction <minimumf>, %sub3A_1389, %reduce_min3A_1390 [0] : vector<128x576xf32> to vector<576xf32>
    %broadcast_in_dim3A_1392 = vector.shape_cast %reduce_min3A_1391 : vector<576xf32> to vector<1x576xf32>
    %eq3A_1393 = vector.broadcast %broadcast_in_dim3A_1392 : vector<1x576xf32> to vector<128x576xf32>
    %eq3A_1394 = arith.cmpf oeq, %sub3A_1389, %eq3A_1393 : vector<128x576xf32>
    %jit3A_1395 = arith.constant 128 : i32
    %broadcast_in_dim3A_1396 = vector.broadcast %jit3A_1395 : i32 to vector<128x576xi32>
    %select_n3A_1397 = arith.select %eq3A_1394, %iota3A, %broadcast_in_dim3A_1396 : vector<128x576xi1>, vector<128x576xi32>
    %reduce_min3A_1398 = arith.constant dense<2147483647> : vector<576xi32>
    %reduce_min3A_1399 = vector.multi_reduction <minsi>, %select_n3A_1397, %reduce_min3A_1398 [0] : vector<128x576xi32> to vector<576xi32>
    %add3A_1400 = arith.constant 896 : i32
    %add3A_1401 = vector.broadcast %add3A_1400 : i32 to vector<576xi32>
    %add3A_1402 = arith.addi %reduce_min3A_1399, %add3A_1401 : vector<576xi32>
    %lt3A_1403 = arith.cmpf olt, %broadcast_in_dim3A_1392, %select_n3A_1383 : vector<1x576xf32>
    %squeeze3A_1404 = vector.shape_cast %lt3A_1403 : vector<1x576xi1> to vector<576xi1>
    %select_n3A_1405 = arith.select %squeeze3A_1404, %add3A_1402, %select_n3A_1382 : vector<576xi1>, vector<576xi32>
    %select_n3A_1406 = arith.select %lt3A_1403, %broadcast_in_dim3A_1392, %select_n3A_1383 : vector<1x576xi1>, vector<1x576xf32>
    %swap3A_1407 = arith.constant 0 : index
    %swap3A_1408 = arith.constant 6 : index
    %swap3A_1409 = arith.constant 0 : index
    %swap3A_1410 = vector.load %arg4[%swap3A_1407, %swap3A_1408, %swap3A_1409] : memref<1x8x576xi32, #tpu.memory_space<vmem>>, vector<1x1x576xi32>
    %swap3A_1411 = vector.shape_cast %swap3A_1410 : vector<1x1x576xi32> to vector<576xi32>
    %swap3A_1412 = vector.shape_cast %select_n3A_1405 : vector<576xi32> to vector<1x1x576xi32>
    tpu.vector_store %arg4[%swap3A_1407, %swap3A_1408, %swap3A_1409], %swap3A_1412 {strides = array<i32>} : memref<1x8x576xi32, #tpu.memory_space<vmem>>, vector<1x1x576xi32>,
    %reduce_sum3A_1413 = vector.shape_cast %select_n3A_1406 : vector<1x576xf32> to vector<1x1x576xf32>
    %reduce_sum3A_1414 = arith.constant dense<0.000000e+00> : vector<1xf32>
    %reduce_sum3A_1415 = vector.multi_reduction <add>, %reduce_sum3A_1413, %reduce_sum3A_1414 [1, 2] : vector<1x1x576xf32> to vector<1xf32>
    %reduce_sum3A_1416 = vector.shape_cast %reduce_sum3A_1415 : vector<1xf32> to vector<1x1x1xf32>
    %reduce_sum3A_1417 = vector.extract %reduce_sum3A_1416[0, 0, 0] : f32 from vector<1x1x1xf32>
    %reshape3A_1418 = vector.broadcast %reduce_sum3A_1417 : f32 to vector<1x1xf32>
    %add3A_1419 = arith.addf %add3A_1215, %reshape3A_1418 : vector<1x1xf32>
    %get3A_1420 = arith.constant 7 : index
    %get3A_1421 = arith.constant 0 : index
    %get3A_1422 = arith.constant 0 : index
    %get3A_1423 = vector.load %arg1[%get3A_1420, %get3A_1421, %get3A_1422] : memref<8x64x576xf32, #tpu.memory_space<vmem>>, vector<1x64x576xf32>
    %get3A_1424 = vector.shape_cast %get3A_1423 : vector<1x64x576xf32> to vector<64x576xf32>
    %mul3A_1425 = arith.mulf %get3A_1424, %get3A_1424 : vector<64x576xf32>
    %reduce_sum3A_1426 = arith.constant dense<0.000000e+00> : vector<576xf32>
    %reduce_sum3A_1427 = vector.multi_reduction <add>, %mul3A_1425, %reduce_sum3A_1426 [0] : vector<64x576xf32> to vector<576xf32>
    %broadcast_in_dim3A_1428 = vector.shape_cast %reduce_sum3A_1427 : vector<576xf32> to vector<1x576xf32>
    %dot_general3A_1429 = arith.constant dense<0.000000e+00> : vector<1024x576xf32>
    %dot_general3A_1430 = tpu.matmul %get3A_1, %get3A_1424, %dot_general3A_1429 {dimension_numbers = #tpu.dot_dimension_numbers<[1], [0], [0], [1], [0, 0, 1, 1], [], []>, transpose_lhs_hint = false} : vector<1024x64xf32>, vector<64x576xf32>, vector<1024x576xf32> -> vector<1024x576xf32>
    %slice3A_1431 = vector.extract_strided_slice %get3A_4 {offsets = [0, 0], sizes = [128, 1], strides = [1, 1]} : vector<1024x1xf32> to vector<128x1xf32>
    %add3A_1432 = vector.broadcast %broadcast_in_dim3A_1428 : vector<1x576xf32> to vector<128x576xf32>
    %add3A_1433 = vector.broadcast %slice3A_1431 : vector<128x1xf32> to vector<128x576xf32>
    %add3A_1434 = arith.addf %add3A_1432, %add3A_1433 : vector<128x576xf32>
    %slice3A_1435 = vector.extract_strided_slice %dot_general3A_1430 {offsets = [0, 0], sizes = [128, 576], strides = [1, 1]} : vector<1024x576xf32> to vector<128x576xf32>
    %sub3A_1436 = arith.subf %add3A_1434, %slice3A_1435 : vector<128x576xf32>
    %reduce_min3A_1437 = arith.constant dense<0x7F800000> : vector<576xf32>
    %reduce_min3A_1438 = vector.multi_reduction <minimumf>, %sub3A_1436, %reduce_min3A_1437 [0] : vector<128x576xf32> to vector<576xf32>
    %broadcast_in_dim3A_1439 = vector.shape_cast %reduce_min3A_1438 : vector<576xf32> to vector<1x576xf32>
    %eq3A_1440 = vector.broadcast %broadcast_in_dim3A_1439 : vector<1x576xf32> to vector<128x576xf32>
    %eq3A_1441 = arith.cmpf oeq, %sub3A_1436, %eq3A_1440 : vector<128x576xf32>
    %jit3A_1442 = arith.constant 128 : i32
    %broadcast_in_dim3A_1443 = vector.broadcast %jit3A_1442 : i32 to vector<128x576xi32>
    %select_n3A_1444 = arith.select %eq3A_1441, %iota3A, %broadcast_in_dim3A_1443 : vector<128x576xi1>, vector<128x576xi32>
    %reduce_min3A_1445 = arith.constant dense<2147483647> : vector<576xi32>
    %reduce_min3A_1446 = vector.multi_reduction <minsi>, %select_n3A_1444, %reduce_min3A_1445 [0] : vector<128x576xi32> to vector<576xi32>
    %add3A_1447 = arith.constant 0 : i32
    %add3A_1448 = vector.broadcast %add3A_1447 : i32 to vector<576xi32>
    %add3A_1449 = arith.addi %reduce_min3A_1446, %add3A_1448 : vector<576xi32>
    %slice3A_1450 = vector.extract_strided_slice %get3A_4 {offsets = [128, 0], sizes = [128, 1], strides = [1, 1]} : vector<1024x1xf32> to vector<128x1xf32>
    %add3A_1451 = vector.broadcast %broadcast_in_dim3A_1428 : vector<1x576xf32> to vector<128x576xf32>
    %add3A_1452 = vector.broadcast %slice3A_1450 : vector<128x1xf32> to vector<128x576xf32>
    %add3A_1453 = arith.addf %add3A_1451, %add3A_1452 : vector<128x576xf32>
    %slice3A_1454 = vector.extract_strided_slice %dot_general3A_1430 {offsets = [128, 0], sizes = [128, 576], strides = [1, 1]} : vector<1024x576xf32> to vector<128x576xf32>
    %sub3A_1455 = arith.subf %add3A_1453, %slice3A_1454 : vector<128x576xf32>
    %reduce_min3A_1456 = arith.constant dense<0x7F800000> : vector<576xf32>
    %reduce_min3A_1457 = vector.multi_reduction <minimumf>, %sub3A_1455, %reduce_min3A_1456 [0] : vector<128x576xf32> to vector<576xf32>
    %broadcast_in_dim3A_1458 = vector.shape_cast %reduce_min3A_1457 : vector<576xf32> to vector<1x576xf32>
    %eq3A_1459 = vector.broadcast %broadcast_in_dim3A_1458 : vector<1x576xf32> to vector<128x576xf32>
    %eq3A_1460 = arith.cmpf oeq, %sub3A_1455, %eq3A_1459 : vector<128x576xf32>
    %jit3A_1461 = arith.constant 128 : i32
    %broadcast_in_dim3A_1462 = vector.broadcast %jit3A_1461 : i32 to vector<128x576xi32>
    %select_n3A_1463 = arith.select %eq3A_1460, %iota3A, %broadcast_in_dim3A_1462 : vector<128x576xi1>, vector<128x576xi32>
    %reduce_min3A_1464 = arith.constant dense<2147483647> : vector<576xi32>
    %reduce_min3A_1465 = vector.multi_reduction <minsi>, %select_n3A_1463, %reduce_min3A_1464 [0] : vector<128x576xi32> to vector<576xi32>
    %add3A_1466 = arith.constant 128 : i32
    %add3A_1467 = vector.broadcast %add3A_1466 : i32 to vector<576xi32>
    %add3A_1468 = arith.addi %reduce_min3A_1465, %add3A_1467 : vector<576xi32>
    %lt3A_1469 = arith.cmpf olt, %broadcast_in_dim3A_1458, %broadcast_in_dim3A_1439 : vector<1x576xf32>
    %squeeze3A_1470 = vector.shape_cast %lt3A_1469 : vector<1x576xi1> to vector<576xi1>
    %select_n3A_1471 = arith.select %squeeze3A_1470, %add3A_1468, %add3A_1449 : vector<576xi1>, vector<576xi32>
    %select_n3A_1472 = arith.select %lt3A_1469, %broadcast_in_dim3A_1458, %broadcast_in_dim3A_1439 : vector<1x576xi1>, vector<1x576xf32>
    %slice3A_1473 = vector.extract_strided_slice %get3A_4 {offsets = [256, 0], sizes = [128, 1], strides = [1, 1]} : vector<1024x1xf32> to vector<128x1xf32>
    %add3A_1474 = vector.broadcast %broadcast_in_dim3A_1428 : vector<1x576xf32> to vector<128x576xf32>
    %add3A_1475 = vector.broadcast %slice3A_1473 : vector<128x1xf32> to vector<128x576xf32>
    %add3A_1476 = arith.addf %add3A_1474, %add3A_1475 : vector<128x576xf32>
    %slice3A_1477 = vector.extract_strided_slice %dot_general3A_1430 {offsets = [256, 0], sizes = [128, 576], strides = [1, 1]} : vector<1024x576xf32> to vector<128x576xf32>
    %sub3A_1478 = arith.subf %add3A_1476, %slice3A_1477 : vector<128x576xf32>
    %reduce_min3A_1479 = arith.constant dense<0x7F800000> : vector<576xf32>
    %reduce_min3A_1480 = vector.multi_reduction <minimumf>, %sub3A_1478, %reduce_min3A_1479 [0] : vector<128x576xf32> to vector<576xf32>
    %broadcast_in_dim3A_1481 = vector.shape_cast %reduce_min3A_1480 : vector<576xf32> to vector<1x576xf32>
    %eq3A_1482 = vector.broadcast %broadcast_in_dim3A_1481 : vector<1x576xf32> to vector<128x576xf32>
    %eq3A_1483 = arith.cmpf oeq, %sub3A_1478, %eq3A_1482 : vector<128x576xf32>
    %jit3A_1484 = arith.constant 128 : i32
    %broadcast_in_dim3A_1485 = vector.broadcast %jit3A_1484 : i32 to vector<128x576xi32>
    %select_n3A_1486 = arith.select %eq3A_1483, %iota3A, %broadcast_in_dim3A_1485 : vector<128x576xi1>, vector<128x576xi32>
    %reduce_min3A_1487 = arith.constant dense<2147483647> : vector<576xi32>
    %reduce_min3A_1488 = vector.multi_reduction <minsi>, %select_n3A_1486, %reduce_min3A_1487 [0] : vector<128x576xi32> to vector<576xi32>
    %add3A_1489 = arith.constant 256 : i32
    %add3A_1490 = vector.broadcast %add3A_1489 : i32 to vector<576xi32>
    %add3A_1491 = arith.addi %reduce_min3A_1488, %add3A_1490 : vector<576xi32>
    %lt3A_1492 = arith.cmpf olt, %broadcast_in_dim3A_1481, %select_n3A_1472 : vector<1x576xf32>
    %squeeze3A_1493 = vector.shape_cast %lt3A_1492 : vector<1x576xi1> to vector<576xi1>
    %select_n3A_1494 = arith.select %squeeze3A_1493, %add3A_1491, %select_n3A_1471 : vector<576xi1>, vector<576xi32>
    %select_n3A_1495 = arith.select %lt3A_1492, %broadcast_in_dim3A_1481, %select_n3A_1472 : vector<1x576xi1>, vector<1x576xf32>
    %slice3A_1496 = vector.extract_strided_slice %get3A_4 {offsets = [384, 0], sizes = [128, 1], strides = [1, 1]} : vector<1024x1xf32> to vector<128x1xf32>
    %add3A_1497 = vector.broadcast %broadcast_in_dim3A_1428 : vector<1x576xf32> to vector<128x576xf32>
    %add3A_1498 = vector.broadcast %slice3A_1496 : vector<128x1xf32> to vector<128x576xf32>
    %add3A_1499 = arith.addf %add3A_1497, %add3A_1498 : vector<128x576xf32>
    %slice3A_1500 = vector.extract_strided_slice %dot_general3A_1430 {offsets = [384, 0], sizes = [128, 576], strides = [1, 1]} : vector<1024x576xf32> to vector<128x576xf32>
    %sub3A_1501 = arith.subf %add3A_1499, %slice3A_1500 : vector<128x576xf32>
    %reduce_min3A_1502 = arith.constant dense<0x7F800000> : vector<576xf32>
    %reduce_min3A_1503 = vector.multi_reduction <minimumf>, %sub3A_1501, %reduce_min3A_1502 [0] : vector<128x576xf32> to vector<576xf32>
    %broadcast_in_dim3A_1504 = vector.shape_cast %reduce_min3A_1503 : vector<576xf32> to vector<1x576xf32>
    %eq3A_1505 = vector.broadcast %broadcast_in_dim3A_1504 : vector<1x576xf32> to vector<128x576xf32>
    %eq3A_1506 = arith.cmpf oeq, %sub3A_1501, %eq3A_1505 : vector<128x576xf32>
    %jit3A_1507 = arith.constant 128 : i32
    %broadcast_in_dim3A_1508 = vector.broadcast %jit3A_1507 : i32 to vector<128x576xi32>
    %select_n3A_1509 = arith.select %eq3A_1506, %iota3A, %broadcast_in_dim3A_1508 : vector<128x576xi1>, vector<128x576xi32>
    %reduce_min3A_1510 = arith.constant dense<2147483647> : vector<576xi32>
    %reduce_min3A_1511 = vector.multi_reduction <minsi>, %select_n3A_1509, %reduce_min3A_1510 [0] : vector<128x576xi32> to vector<576xi32>
    %add3A_1512 = arith.constant 384 : i32
    %add3A_1513 = vector.broadcast %add3A_1512 : i32 to vector<576xi32>
    %add3A_1514 = arith.addi %reduce_min3A_1511, %add3A_1513 : vector<576xi32>
    %lt3A_1515 = arith.cmpf olt, %broadcast_in_dim3A_1504, %select_n3A_1495 : vector<1x576xf32>
    %squeeze3A_1516 = vector.shape_cast %lt3A_1515 : vector<1x576xi1> to vector<576xi1>
    %select_n3A_1517 = arith.select %squeeze3A_1516, %add3A_1514, %select_n3A_1494 : vector<576xi1>, vector<576xi32>
    %select_n3A_1518 = arith.select %lt3A_1515, %broadcast_in_dim3A_1504, %select_n3A_1495 : vector<1x576xi1>, vector<1x576xf32>
    %slice3A_1519 = vector.extract_strided_slice %get3A_4 {offsets = [512, 0], sizes = [128, 1], strides = [1, 1]} : vector<1024x1xf32> to vector<128x1xf32>
    %add3A_1520 = vector.broadcast %broadcast_in_dim3A_1428 : vector<1x576xf32> to vector<128x576xf32>
    %add3A_1521 = vector.broadcast %slice3A_1519 : vector<128x1xf32> to vector<128x576xf32>
    %add3A_1522 = arith.addf %add3A_1520, %add3A_1521 : vector<128x576xf32>
    %slice3A_1523 = vector.extract_strided_slice %dot_general3A_1430 {offsets = [512, 0], sizes = [128, 576], strides = [1, 1]} : vector<1024x576xf32> to vector<128x576xf32>
    %sub3A_1524 = arith.subf %add3A_1522, %slice3A_1523 : vector<128x576xf32>
    %reduce_min3A_1525 = arith.constant dense<0x7F800000> : vector<576xf32>
    %reduce_min3A_1526 = vector.multi_reduction <minimumf>, %sub3A_1524, %reduce_min3A_1525 [0] : vector<128x576xf32> to vector<576xf32>
    %broadcast_in_dim3A_1527 = vector.shape_cast %reduce_min3A_1526 : vector<576xf32> to vector<1x576xf32>
    %eq3A_1528 = vector.broadcast %broadcast_in_dim3A_1527 : vector<1x576xf32> to vector<128x576xf32>
    %eq3A_1529 = arith.cmpf oeq, %sub3A_1524, %eq3A_1528 : vector<128x576xf32>
    %jit3A_1530 = arith.constant 128 : i32
    %broadcast_in_dim3A_1531 = vector.broadcast %jit3A_1530 : i32 to vector<128x576xi32>
    %select_n3A_1532 = arith.select %eq3A_1529, %iota3A, %broadcast_in_dim3A_1531 : vector<128x576xi1>, vector<128x576xi32>
    %reduce_min3A_1533 = arith.constant dense<2147483647> : vector<576xi32>
    %reduce_min3A_1534 = vector.multi_reduction <minsi>, %select_n3A_1532, %reduce_min3A_1533 [0] : vector<128x576xi32> to vector<576xi32>
    %add3A_1535 = arith.constant 512 : i32
    %add3A_1536 = vector.broadcast %add3A_1535 : i32 to vector<576xi32>
    %add3A_1537 = arith.addi %reduce_min3A_1534, %add3A_1536 : vector<576xi32>
    %lt3A_1538 = arith.cmpf olt, %broadcast_in_dim3A_1527, %select_n3A_1518 : vector<1x576xf32>
    %squeeze3A_1539 = vector.shape_cast %lt3A_1538 : vector<1x576xi1> to vector<576xi1>
    %select_n3A_1540 = arith.select %squeeze3A_1539, %add3A_1537, %select_n3A_1517 : vector<576xi1>, vector<576xi32>
    %select_n3A_1541 = arith.select %lt3A_1538, %broadcast_in_dim3A_1527, %select_n3A_1518 : vector<1x576xi1>, vector<1x576xf32>
    %slice3A_1542 = vector.extract_strided_slice %get3A_4 {offsets = [640, 0], sizes = [128, 1], strides = [1, 1]} : vector<1024x1xf32> to vector<128x1xf32>
    %add3A_1543 = vector.broadcast %broadcast_in_dim3A_1428 : vector<1x576xf32> to vector<128x576xf32>
    %add3A_1544 = vector.broadcast %slice3A_1542 : vector<128x1xf32> to vector<128x576xf32>
    %add3A_1545 = arith.addf %add3A_1543, %add3A_1544 : vector<128x576xf32>
    %slice3A_1546 = vector.extract_strided_slice %dot_general3A_1430 {offsets = [640, 0], sizes = [128, 576], strides = [1, 1]} : vector<1024x576xf32> to vector<128x576xf32>
    %sub3A_1547 = arith.subf %add3A_1545, %slice3A_1546 : vector<128x576xf32>
    %reduce_min3A_1548 = arith.constant dense<0x7F800000> : vector<576xf32>
    %reduce_min3A_1549 = vector.multi_reduction <minimumf>, %sub3A_1547, %reduce_min3A_1548 [0] : vector<128x576xf32> to vector<576xf32>
    %broadcast_in_dim3A_1550 = vector.shape_cast %reduce_min3A_1549 : vector<576xf32> to vector<1x576xf32>
    %eq3A_1551 = vector.broadcast %broadcast_in_dim3A_1550 : vector<1x576xf32> to vector<128x576xf32>
    %eq3A_1552 = arith.cmpf oeq, %sub3A_1547, %eq3A_1551 : vector<128x576xf32>
    %jit3A_1553 = arith.constant 128 : i32
    %broadcast_in_dim3A_1554 = vector.broadcast %jit3A_1553 : i32 to vector<128x576xi32>
    %select_n3A_1555 = arith.select %eq3A_1552, %iota3A, %broadcast_in_dim3A_1554 : vector<128x576xi1>, vector<128x576xi32>
    %reduce_min3A_1556 = arith.constant dense<2147483647> : vector<576xi32>
    %reduce_min3A_1557 = vector.multi_reduction <minsi>, %select_n3A_1555, %reduce_min3A_1556 [0] : vector<128x576xi32> to vector<576xi32>
    %add3A_1558 = arith.constant 640 : i32
    %add3A_1559 = vector.broadcast %add3A_1558 : i32 to vector<576xi32>
    %add3A_1560 = arith.addi %reduce_min3A_1557, %add3A_1559 : vector<576xi32>
    %lt3A_1561 = arith.cmpf olt, %broadcast_in_dim3A_1550, %select_n3A_1541 : vector<1x576xf32>
    %squeeze3A_1562 = vector.shape_cast %lt3A_1561 : vector<1x576xi1> to vector<576xi1>
    %select_n3A_1563 = arith.select %squeeze3A_1562, %add3A_1560, %select_n3A_1540 : vector<576xi1>, vector<576xi32>
    %select_n3A_1564 = arith.select %lt3A_1561, %broadcast_in_dim3A_1550, %select_n3A_1541 : vector<1x576xi1>, vector<1x576xf32>
    %slice3A_1565 = vector.extract_strided_slice %get3A_4 {offsets = [768, 0], sizes = [128, 1], strides = [1, 1]} : vector<1024x1xf32> to vector<128x1xf32>
    %add3A_1566 = vector.broadcast %broadcast_in_dim3A_1428 : vector<1x576xf32> to vector<128x576xf32>
    %add3A_1567 = vector.broadcast %slice3A_1565 : vector<128x1xf32> to vector<128x576xf32>
    %add3A_1568 = arith.addf %add3A_1566, %add3A_1567 : vector<128x576xf32>
    %slice3A_1569 = vector.extract_strided_slice %dot_general3A_1430 {offsets = [768, 0], sizes = [128, 576], strides = [1, 1]} : vector<1024x576xf32> to vector<128x576xf32>
    %sub3A_1570 = arith.subf %add3A_1568, %slice3A_1569 : vector<128x576xf32>
    %reduce_min3A_1571 = arith.constant dense<0x7F800000> : vector<576xf32>
    %reduce_min3A_1572 = vector.multi_reduction <minimumf>, %sub3A_1570, %reduce_min3A_1571 [0] : vector<128x576xf32> to vector<576xf32>
    %broadcast_in_dim3A_1573 = vector.shape_cast %reduce_min3A_1572 : vector<576xf32> to vector<1x576xf32>
    %eq3A_1574 = vector.broadcast %broadcast_in_dim3A_1573 : vector<1x576xf32> to vector<128x576xf32>
    %eq3A_1575 = arith.cmpf oeq, %sub3A_1570, %eq3A_1574 : vector<128x576xf32>
    %jit3A_1576 = arith.constant 128 : i32
    %broadcast_in_dim3A_1577 = vector.broadcast %jit3A_1576 : i32 to vector<128x576xi32>
    %select_n3A_1578 = arith.select %eq3A_1575, %iota3A, %broadcast_in_dim3A_1577 : vector<128x576xi1>, vector<128x576xi32>
    %reduce_min3A_1579 = arith.constant dense<2147483647> : vector<576xi32>
    %reduce_min3A_1580 = vector.multi_reduction <minsi>, %select_n3A_1578, %reduce_min3A_1579 [0] : vector<128x576xi32> to vector<576xi32>
    %add3A_1581 = arith.constant 768 : i32
    %add3A_1582 = vector.broadcast %add3A_1581 : i32 to vector<576xi32>
    %add3A_1583 = arith.addi %reduce_min3A_1580, %add3A_1582 : vector<576xi32>
    %lt3A_1584 = arith.cmpf olt, %broadcast_in_dim3A_1573, %select_n3A_1564 : vector<1x576xf32>
    %squeeze3A_1585 = vector.shape_cast %lt3A_1584 : vector<1x576xi1> to vector<576xi1>
    %select_n3A_1586 = arith.select %squeeze3A_1585, %add3A_1583, %select_n3A_1563 : vector<576xi1>, vector<576xi32>
    %select_n3A_1587 = arith.select %lt3A_1584, %broadcast_in_dim3A_1573, %select_n3A_1564 : vector<1x576xi1>, vector<1x576xf32>
    %slice3A_1588 = vector.extract_strided_slice %get3A_4 {offsets = [896, 0], sizes = [128, 1], strides = [1, 1]} : vector<1024x1xf32> to vector<128x1xf32>
    %add3A_1589 = vector.broadcast %broadcast_in_dim3A_1428 : vector<1x576xf32> to vector<128x576xf32>
    %add3A_1590 = vector.broadcast %slice3A_1588 : vector<128x1xf32> to vector<128x576xf32>
    %add3A_1591 = arith.addf %add3A_1589, %add3A_1590 : vector<128x576xf32>
    %slice3A_1592 = vector.extract_strided_slice %dot_general3A_1430 {offsets = [896, 0], sizes = [128, 576], strides = [1, 1]} : vector<1024x576xf32> to vector<128x576xf32>
    %sub3A_1593 = arith.subf %add3A_1591, %slice3A_1592 : vector<128x576xf32>
    %reduce_min3A_1594 = arith.constant dense<0x7F800000> : vector<576xf32>
    %reduce_min3A_1595 = vector.multi_reduction <minimumf>, %sub3A_1593, %reduce_min3A_1594 [0] : vector<128x576xf32> to vector<576xf32>
    %broadcast_in_dim3A_1596 = vector.shape_cast %reduce_min3A_1595 : vector<576xf32> to vector<1x576xf32>
    %eq3A_1597 = vector.broadcast %broadcast_in_dim3A_1596 : vector<1x576xf32> to vector<128x576xf32>
    %eq3A_1598 = arith.cmpf oeq, %sub3A_1593, %eq3A_1597 : vector<128x576xf32>
    %jit3A_1599 = arith.constant 128 : i32
    %broadcast_in_dim3A_1600 = vector.broadcast %jit3A_1599 : i32 to vector<128x576xi32>
    %select_n3A_1601 = arith.select %eq3A_1598, %iota3A, %broadcast_in_dim3A_1600 : vector<128x576xi1>, vector<128x576xi32>
    %reduce_min3A_1602 = arith.constant dense<2147483647> : vector<576xi32>
    %reduce_min3A_1603 = vector.multi_reduction <minsi>, %select_n3A_1601, %reduce_min3A_1602 [0] : vector<128x576xi32> to vector<576xi32>
    %add3A_1604 = arith.constant 896 : i32
    %add3A_1605 = vector.broadcast %add3A_1604 : i32 to vector<576xi32>
    %add3A_1606 = arith.addi %reduce_min3A_1603, %add3A_1605 : vector<576xi32>
    %lt3A_1607 = arith.cmpf olt, %broadcast_in_dim3A_1596, %select_n3A_1587 : vector<1x576xf32>
    %squeeze3A_1608 = vector.shape_cast %lt3A_1607 : vector<1x576xi1> to vector<576xi1>
    %select_n3A_1609 = arith.select %squeeze3A_1608, %add3A_1606, %select_n3A_1586 : vector<576xi1>, vector<576xi32>
    %select_n3A_1610 = arith.select %lt3A_1607, %broadcast_in_dim3A_1596, %select_n3A_1587 : vector<1x576xi1>, vector<1x576xf32>
    %swap3A_1611 = arith.constant 0 : index
    %swap3A_1612 = arith.constant 7 : index
    %swap3A_1613 = arith.constant 0 : index
    %swap3A_1614 = vector.load %arg4[%swap3A_1611, %swap3A_1612, %swap3A_1613] : memref<1x8x576xi32, #tpu.memory_space<vmem>>, vector<1x1x576xi32>
    %swap3A_1615 = vector.shape_cast %swap3A_1614 : vector<1x1x576xi32> to vector<576xi32>
    %swap3A_1616 = vector.shape_cast %select_n3A_1609 : vector<576xi32> to vector<1x1x576xi32>
    tpu.vector_store %arg4[%swap3A_1611, %swap3A_1612, %swap3A_1613], %swap3A_1616 {strides = array<i32>} : memref<1x8x576xi32, #tpu.memory_space<vmem>>, vector<1x1x576xi32>,
    %reduce_sum3A_1617 = vector.shape_cast %select_n3A_1610 : vector<1x576xf32> to vector<1x1x576xf32>
    %reduce_sum3A_1618 = arith.constant dense<0.000000e+00> : vector<1xf32>
    %reduce_sum3A_1619 = vector.multi_reduction <add>, %reduce_sum3A_1617, %reduce_sum3A_1618 [1, 2] : vector<1x1x576xf32> to vector<1xf32>
    %reduce_sum3A_1620 = vector.shape_cast %reduce_sum3A_1619 : vector<1xf32> to vector<1x1x1xf32>
    %reduce_sum3A_1621 = vector.extract %reduce_sum3A_1620[0, 0, 0] : f32 from vector<1x1x1xf32>
    %reshape3A_1622 = vector.broadcast %reduce_sum3A_1621 : f32 to vector<1x1xf32>
    %add3A_1623 = arith.addf %add3A_1419, %reshape3A_1622 : vector<1x1xf32>
    %eq3A_1624 = arith.constant 0 : i32
    %eq3A_1625 = arith.cmpi eq, %arg0, %eq3A_1624 : i32
    %convert_element_type3A = arith.extui %eq3A_1625 : i1 to i32
    %cond3A = arith.constant 0 : i32
    %cond3A_1626 = arith.cmpi ne, %convert_element_type3A, %cond3A : i32
    scf.if %cond3A_1626 {
      %swap3A_1636 = arith.constant 0 : index
      %swap3A_1637 = arith.constant 0 : index
      %swap3A_1638 = vector.load %arg5[%swap3A_1636, %swap3A_1637] : memref<1x1xf32, #tpu.memory_space<vmem>>, vector<1x1xf32>
      tpu.vector_store %arg5[%swap3A_1636, %swap3A_1637], %add3A_1623 {strides = array<i32>} : memref<1x1xf32, #tpu.memory_space<vmem>>, vector<1x1xf32>,
    } else {
    }
    %gt3A = arith.constant 0 : i32
    %gt3A_1627 = arith.cmpi sgt, %arg0, %gt3A : i32
    %convert_element_type3A_1628 = arith.extui %gt3A_1627 : i1 to i32
    %cond3A_1629 = arith.constant 0 : i32
    %cond3A_1630 = arith.cmpi ne, %convert_element_type3A_1628, %cond3A_1629 : i32
    scf.if %cond3A_1630 {
      %get3A_1636 = arith.constant 0 : index
      %get3A_1637 = arith.constant 0 : index
      %get3A_1638 = vector.load %arg5[%get3A_1636, %get3A_1637] : memref<1x1xf32, #tpu.memory_space<vmem>>, vector<1x1xf32>
      %add3A_1639 = arith.addf %get3A_1638, %add3A_1623 : vector<1x1xf32>
      %swap3A_1640 = arith.constant 0 : index
      %swap3A_1641 = arith.constant 0 : index
      %swap3A_1642 = vector.load %arg5[%swap3A_1640, %swap3A_1641] : memref<1x1xf32, #tpu.memory_space<vmem>>, vector<1x1xf32>
      tpu.vector_store %arg5[%swap3A_1640, %swap3A_1641], %add3A_1639 {strides = array<i32>} : memref<1x1xf32, #tpu.memory_space<vmem>>, vector<1x1xf32>,
    } else {
    }
    %eq3A_1631 = arith.constant 1 : i32
    %eq3A_1632 = arith.cmpi eq, %arg0, %eq3A_1631 : i32
    %convert_element_type3A_1633 = arith.extui %eq3A_1632 : i1 to i32
    %cond3A_1634 = arith.constant 0 : i32
    %cond3A_1635 = arith.cmpi ne, %convert_element_type3A_1633, %cond3A_1634 : i32
    scf.if %cond3A_1635 {
      %get3A_1636 = arith.constant 0 : index
      %get3A_1637 = arith.constant 0 : index
      %get3A_1638 = vector.load %arg5[%get3A_1636, %get3A_1637] : memref<1x1xf32, #tpu.memory_space<vmem>>, vector<1x1xf32>
      %div3A = arith.constant 5.898240e+05 : f32
      %div3A_1639 = vector.broadcast %div3A : f32 to vector<1x1xf32>
      %div3A_1640 = arith.divf %get3A_1638, %div3A_1639 : vector<1x1xf32>
      %swap3A_1641 = arith.constant 0 : index
      %swap3A_1642 = arith.constant 0 : index
      %swap3A_1643 = vector.load %arg5[%swap3A_1641, %swap3A_1642] : memref<1x1xf32, #tpu.memory_space<vmem>>, vector<1x1xf32>
      tpu.vector_store %arg5[%swap3A_1641, %swap3A_1642], %div3A_1640 {strides = array<i32>} : memref<1x1xf32, #tpu.memory_space<vmem>>, vector<1x1xf32>,
    } else {
    }
    return
  }
  func.func @transform_0(%arg0: i32) -> (i32, i32, i32) {
    %c0_i32 = arith.constant 0 : i32
    %c0_i32_0 = arith.constant 0 : i32
    %c0_i32_1 = arith.constant 0 : i32
    return %arg0, %c0_i32, %c0_i32_0 : i32, i32, i32
  }
  func.func @transform_1(%arg0: i32) -> (i32, i32) {
    %c0_i32 = arith.constant 0 : i32
    %c0_i32_0 = arith.constant 0 : i32
    %c0_i32_1 = arith.constant 0 : i32
    return %c0_i32, %c0_i32_0 : i32, i32
  }
  func.func @transform_2(%arg0: i32) -> (i32, i32) {
    %c0_i32 = arith.constant 0 : i32
    %c0_i32_0 = arith.constant 0 : i32
    %c0_i32_1 = arith.constant 0 : i32
    return %c0_i32, %c0_i32_0 : i32, i32
  }
  func.func @transform_3(%arg0: i32) -> (i32, i32, i32) {
    %c0_i32 = arith.constant 0 : i32
    %c0_i32_0 = arith.constant 0 : i32
    %c0_i32_1 = arith.constant 0 : i32
    return %arg0, %c0_i32, %c0_i32_0 : i32, i32, i32
  }
  func.func @transform_4(%arg0: i32) -> (i32, i32) {
    %c0_i32 = arith.constant 0 : i32
    %c0_i32_0 = arith.constant 0 : i32
    %c0_i32_1 = arith.constant 0 : i32
    return %c0_i32, %c0_i32_0 : i32, i32
  }
}

</mosaic_0001>

<sc_bundles>
// kernel: kernel.4.cloned.1.call-start
scs
__scs_entry_jumppad:
0x0: {  	(pc) =	sbr.rel $0x88, $3  }
0x1: {  	(tag) =	ssettag $0x0;
	lr =	simm.s32 $0x1  }
0x2: {  	[smem:$0x3F9F] =	sst lr;
	_ =	strace $0xD0000000  }
0x3: {  	_ = 	snop  }
0x4: {  	_ = 	snop  }
0x5: {  	_ = 	snop  }
0x6: {  	_ = 	snop  }
0x7: {  	_ = 	snop  }
__scs_overlays_trampoline_lowered:
0x8: {  	[smem:$0x3FAE] =	sst s0  }
0x9: {  	[smem:$0x3FAF] =	sst s1  }
0xa: {  	[smem:$0x3FB0] =	sst s2  }
0xb: {  	[smem:$0x3FB1] =	sst s3  }
0xc: {  	[smem:$0x3FB2] =	sst s4  }
0xd: {  	[smem:$0x3FB3] =	sst s5  }
0xe: {  	[smem:$0x3FB4] =	sst s6  }
0xf: {  	[smem:$0x3FB5] =	sst s7  }
0x10: {  	[smem:$0x3FB6] =	sst s8  }
0x11: {  	[smem:$0x3FB7] =	sst s9;
	s0 =	simm.s32 @!p0 $0x0  }
0x12: {  	s1 =	sld [smem:$0x3F9D];
	s0 =	simm.s32 @p0 $0x1  }
0x13: {  	[smem:$0x3FB8] =	sst s0;
	s0 =	simm.s32 @!p1 $0x0  }
0x14: {  	s2 =	sld [smem:$0x3F9C];
	s0 =	simm.s32 @p1 $0x1  }
0x15: {  	[smem:$0x3FB9] =	sst s0;
	s0 =	simm.s32 @!p2 $0x0  }
0x16: {  	s3 =	sld [smem:$0x3FDB];
	s0 =	simm.s32 @p2 $0x1  }
0x17: {  	s4 =	simm.s32 $0x1BF5;
	[smem:$0x3FBB] =	sst s0  }
0x18: {  	s0 =	sld [smem:$0x3F9E];
	_ =	swait.ge [sflag:s4], $0x0  }
0x19: {  	s7 =	sld [smem:$0x3F9F]  }
0x1a: {  	s8 =	sadd.s32 $0xFFFFE003, lr  }
0x1b: {  	s9 =	sadd.s32 $0xFFFFFEF7, lr;
	s5 =	simm.s32 $0xFFFFFFFF;
	p2 =	slt.u32 s8, $0xFFFFF086  }
0x1c: {  	p1 =	slt.u32 s9, $0xF7A;
	s5 =	simm.s32 @!p2 $0x0  }
0x1d: {  	s5 =	simm.s32 @p1 $0x1;
	p0 =	seq.s32 s7, s2  }
0x1e: {  	s7 =	smul.u32 @!p0 $0xF7A, s2;
	p2 =	seq.s32 @!p0 s5, $0x0  }
0x1f: {  	s9 =	smul.u32 $0xF7A, s1;
	s8 =	simm.s32 @!p0 $0x1BF5;
	p2 =	por !p2, p0  }
0x20: {  	[sflag:s8] =	ssyncset.s32 @!p0 $0xFFFFF086;
	s6 =	sadd.s32 @!p0 s3, s7;
	s7 =	simm.s32 @!p0 $0x108  }
0x21: {  	s3 =	sadd.s32 s3, s9;
	s6 =	sadd.s32 @!p0 $0x88, s6;
	s7 =	simm.s32 @p2 $0x1082  }
0x22: {  	[simem:s7], [sflag:s8] =	dma.local @!p0 [hbm:s6], $0xF7A  }
0x23: {  	s9 =	sor.u32 $0xD0000000, s2;
	s6 =	simm.s32 $0x108;
	_ =	swait.ge @!p0 [sflag:s8], $0x0  }
0x24: {  	s3 =	sadd.s32 $0x88, s3;
	s6 =	simm.s32 @!p1 $0x1082;
	[sflag:s4] =	ssyncset.s32 $0xFFFFF086  }
0x25: {  	[simem:s6], [sflag:s4] =	dma.local [hbm:s3], $0xF7A  }
0x26: {  	[smem:$0x3F9F] =	sst s1;
	(tag) =	ssettag s2;
	_ =	strace s9  }
0x27: {  	s1 =	sld [smem:$0x3FAF]  }
0x28: {  	s2 =	sld [smem:$0x3FB0]  }
0x29: {  	s4 =	sld [smem:$0x3FB2]  }
0x2a: {  	p0 =	seq.s32 s5, $0x0;
	s5 =	sld [smem:$0x3FB3]  }
0x2b: {  	s6 =	sld [smem:$0x3FB4]  }
0x2c: {  	s7 =	sld [smem:$0x3FB5]  }
0x2d: {  	s3 =	simm.s32 $0x108;
	s8 =	sld [smem:$0x3FB6]  }
0x2e: {  	s3 =	simm.s32 @!p0 $0x1082;
	s9 =	sld [smem:$0x3FB7]  }
0x2f: {  	lr =	sadd.s32 s0, s3;
	s0 =	sld [smem:$0x3FAE]  }
0x30: {  	s3 =	sld [smem:$0x3FB1]  }
0x31: {  	[smem:$0x3FBA] =	sst s10  }
0x32: {  	s10 =	sld [smem:$0x3FB8];
	_ =	sdelay $0x3  }
0x33: {  	p0 =	seq.s32 s10, $0x1;
	s10 =	sld [smem:$0x3FBA];
	_ =	sdelay $0x3  }
0x34: {  	[smem:$0x3FBA] =	sst s10  }
0x35: {  	s10 =	sld [smem:$0x3FB9];
	_ =	sdelay $0x3  }
0x36: {  	p1 =	seq.s32 s10, $0x1;
	s10 =	sld [smem:$0x3FBA];
	_ =	sdelay $0x3  }
0x37: {  	[smem:$0x3FBA] =	sst s10  }
0x38: {  	s10 =	sld [smem:$0x3FBB]  }
0x39: {  	_ = 	snop;
	(pc) =	sbr.ind lr, $3  }
0x3a: {  	_ = 	snop  }
0x3b: {  	_ = 	snop  }
0x3c: {  	p2 =	seq.s32 s10, $0x1;
	s10 =	sld [smem:$0x3FBA]  }
0x3d: {  	_ =	shalt  }
0x3e: {  	_ =	shalt  }
0x3f: {  	_ =	shalt  }
0x40: {  	_ =	shalt  }
0x41: {  	_ =	shalt  }
0x42: {  	_ =	shalt  }
0x43: {  	_ =	shalt  }
0x44: {  	_ =	shalt  }
0x45: {  	_ =	shalt  }
0x46: {  	_ =	shalt  }
0x47: {  	_ =	shalt  }
0x48: {  	_ =	shalt  }
0x49: {  	_ =	shalt  }
0x4a: {  	_ =	shalt  }
0x4b: {  	_ =	shalt  }
0x4c: {  	_ =	shalt  }
0x4d: {  	_ =	shalt  }
0x4e: {  	_ =	shalt  }
0x4f: {  	_ =	shalt  }
0x50: {  	_ =	shalt  }
0x51: {  	_ =	shalt  }
0x52: {  	_ =	shalt  }
0x53: {  	_ =	shalt  }
0x54: {  	_ =	shalt  }
0x55: {  	_ =	shalt  }
0x56: {  	_ =	shalt  }
0x57: {  	_ =	shalt  }
0x58: {  	_ =	shalt  }
0x59: {  	_ =	shalt  }
0x5a: {  	_ =	shalt  }
0x5b: {  	_ =	shalt  }
0x5c: {  	_ =	shalt  }
0x5d: {  	_ =	shalt  }
0x5e: {  	_ =	shalt  }
0x5f: {  	_ =	shalt  }
0x60: {  	_ =	shalt  }
0x61: {  	_ =	shalt  }
0x62: {  	_ =	shalt  }
0x63: {  	_ =	shalt  }
0x64: {  	_ =	shalt  }
0x65: {  	_ =	shalt  }
0x66: {  	_ =	shalt  }
0x67: {  	_ =	shalt  }
0x68: {  	_ =	shalt  }
0x69: {  	_ =	shalt  }
0x6a: {  	_ =	shalt  }
0x6b: {  	_ =	shalt  }
0x6c: {  	_ =	shalt  }
0x6d: {  	_ =	shalt  }
0x6e: {  	_ =	shalt  }
0x6f: {  	_ =	shalt  }
0x70: {  	_ =	shalt  }
0x71: {  	_ =	shalt  }
0x72: {  	_ =	shalt  }
0x73: {  	_ =	shalt  }
0x74: {  	_ =	shalt  }
0x75: {  	_ =	shalt  }
0x76: {  	_ =	shalt  }
0x77: {  	_ =	shalt  }
0x78: {  	_ =	shalt  }
0x79: {  	_ =	shalt  }
0x7a: {  	_ =	shalt  }
0x7b: {  	_ =	shalt  }
0x7c: {  	_ =	shalt  }
0x7d: {  	_ =	shalt  }
0x7e: {  	_ =	shalt  }
0x7f: {  	_ =	shalt  }
0x80: {  	_ =	shalt  }
0x81: {  	_ =	shalt  }
0x82: {  	_ =	shalt  }
0x83: {  	_ =	shalt  }
0x84: {  	_ =	shalt  }
0x85: {  	_ =	shalt  }
0x86: {  	_ =	shalt  }
0x87: {  	_ =	shalt  }
.Lfunc_end0:
.L_simem_size_0:
called_computation_lowered:
.L_overlay_start_0:
0x88: {  	s2 =	sld [smem:$0x3FD9]  }
0x89: {  	s3 =	sld [smem:$0x3FFE];
	_ =	sdelay $0x1  }
0x8a: {  	s1 =	srdreg.scid  }
0x8b: {  	s0 =	sand.u32 $0x1, s1  }
0x8c: {  	s14 =	sshll.u32 s0, $0xA;
	s2 =	sadd.s32 s3, s2  }
0x8d: {  	s2 =	sadd.s32 s2, s14  }
0x8e: {  	[smem:$0x3FC6] =	sst s2  }
0x8f: {  	_ = 	snop  }
0x90: {  	s2 =	sld [smem:$0x3FD0];
	_ =	sdelay $0x2  }
0x91: {  	s15 =	simm.s32 $0xA;
	s4 =	simm.s32 $0x10  }
0x92: {  	[smem:s4], [sflag:s15] =	dma.local [hbm:s2], $0x1  }
0x93: {  	_ =	swait.eq [sflag:s15], $0x1  }
0x94: {  	[sflag:s15] =	ssyncset.done $0x0  }
0x95: {  	[sflag:s15] =	ssyncadd.s32 $0xFFFFFFFF  }
0x96: {  	s16 =	sld [smem:$0x10];
	(tm) =	ssettm $0x1  }
0x97: {  	s17 =	sld [smem:$0x3FFB];
	_ =	sdelay $0x3  }
0x98: {  	_ =	strace s17  }
0x99: {  	s3 =	sld [smem:$0x3FFC];
	_ =	sdelay $0x3  }
0x9a: {  	_ =	strace s3  }
0x9b: {  	s3 =	sld [smem:$0x3FFD];
	_ =	sdelay $0x3  }
0x9c: {  	_ =	strace s3  }
0x9d: {  	_ =	strace $0x8FFFFFFF  }
0x9e: {  	s18 =	sld [smem:$0x3FDB];
	_ =	sdelay $0x1  }
0x9f: {  	s19 =	simm.s32 $_scs_section_size  }
0xa0: {  	s5 =	simm.s32 $_size__tile_overlayer_lowered;
	s6 =	simm.s32 $_tile_overlayer_lowered  }
0xa1: {  	s22 =	simm.s32 $0x1BFF;
	s21 =	sshll.u32 s6, $0x1;
	s3 =	sadd.s32 s19, s18  }
0xa2: {  	s7 =	simm.s32 $0x0;
	s20 =	sshll.u32 s5, $0x1;
	s5 =	sadd.s32 s21, s3  }
0xa3: {  	[timem:s7], [sflag:s22] =	dma.local [hbm:s5], s20  }
0xa4: {  	_ =	swait.ge [sflag:s22], s20  }
0xa5: {  	s4 =	ssub.s32 $0x0, s20;
	[sflag:s22] =	ssyncset.done $0x0  }
0xa6: {  	[sflag:s22] =	ssyncadd.s32 s4;
	_ =	sdelay $0x1  }
0xa7: {  	s23 =	simm.s32 $0x1B8B  }
0xa8: {  	_ =	swait.ge [sflag:s23], $0x1  }
0xa9: {  	[sflag:s23] =	ssyncset.done $0x0  }
0xaa: {  	s25 =	simm.s32 $0x1B8E;
	s24 =	sld [smem:$0x3FFE];
	[sflag:s23] =	ssyncadd.s32 $0xFFFFFFFF  }
0xab: {  	s26 =	simm.s32 $execute0_lowered;
	[smem:$0x3FD2] =	sst s25  }
0xac: {  	s5 =	sshll.u32 s26, $0x1;
	_ =	strace $0x80000046;
	[dreg:$0x1] =	wrdreg $0xFFFFFFFF  }
0xad: {  	s28 =	simm.s32 $_size_execute0_lowered;
	s3 =	sadd.s32 s3, s5;
	[dreg:$0x0] =	wrdreg $0x0  }
0xae: {  	s5 =	sshll.u32 s28, $0x1;
	[dreg:$0x2] =	wrdreg s3  }
0xaf: {  	[dreg:$0x3] =	wrdreg s5  }
0xb0: {  	[dreg:$0x4] =	wrdreg $0xC0  }
0xb1: {  	_ =	task [dreg:s7], $0x5FFFF  }
0xb2: {  	[dreg:$0x1] =	wrdreg $0xFFFFFFFF  }
0xb3: {  	[dreg:$0x0] =	wrdreg $0x60  }
0xb4: {  	[dreg:$0x2] =	wrdreg s16  }
0xb5: {  	[dreg:$0x3] =	wrdreg s24  }
0xb6: {  	[dreg:$0x4] =	wrdreg $0x9  }
0xb7: {  	_ =	task.clear_ibuf [dreg:s7], $0x5FFFF;
	_ =	strace $0x90000046  }
0xb8: {  	s29 =	simm.s32 $0x9;
	_ =	strace $0x80000048  }
0xb9: {  	_ =	swait.ge [sflag:s29], $0x1  }
0xba: {  	[sflag:s29] =	ssyncadd.s32 $0xFFFFFFFF  }
0xbb: {  	_ =	strace $0x90000048  }
0xbc: {  	_ =	sfence  }
0xbd: {  	s30 =	sld [smem:$0x0];
	_ =	sdelay $0x2  }
0xbe: {  	s31 =	sshll.u32 s1, $0xD;
	s1 =	sshrl.u32 s1, $0x2  }
0xbf: {  	s3 =	sand.u32 $0x4000, s31;
	s1 =	sadd.s32 s1, s30  }
0xc0: {  	s0 =	sor.u32 s3, s0;
	s1 =	sshll.u32 s1, $0x11  }
0xc1: {  	s0 =	sor.u32 s1, s0  }
0xc2: {  	s0 =	sadd.s32 $0x8F2B, s0  }
0xc3: {  	[sflag:s0] =	ssyncadd.remote.s32 $0x1  }
0xc4: {  	_ =	sfence.sel $0xFFFF  }
0xc5: {  	[dreg:$0x0] =	wrdreg $0xFFFFFFFF;
	(pc) =	sbr.abs _section_cstart, $3  }
0xc6: {  	[dreg:$0x1] =	wrdreg $0xFFFFFFFF  }
0xc7: {  	_ =	task.clear_ibuf [dreg:s7], $0x2FFFF;
	_ =	strace $0x9FFFFFFF  }
0xc8: {  	(tm) =	ssettm $0x7FFFFFFF  }
0xc9: {  	_ =	shalt  }
tec
execute0_lowered:
.L_overlay_start_1:
0x0: {  	(tag) =	ssettag $0x1  }
0x1: {  	s1 =	srdreg.scid;
	s0 =	stileid.u32  }
0x2: {  	s13 =	sand.u32 $0x1, s1;
	s28 =	sshll.u32 s0, $0x1  }
0x3: {  	s2 =	rddreg [dreg:$0x0];
	s9 =	sor.u32 s13, s28  }
0x4: {  	s10 =	rddreg [dreg:$0x1];
	s12 =	smul.u32 $0x120, s9  }
0x5: {  	s3 =	simm.s32 $0x0;
	s1 =	rddreg [dreg:$0x2]  }
0x6: {  	[smem:$0x7FF] =	sst s3;
	s14 =	sadd.s32 $0x400, s10;
	s4 =	sshrl.u32 s12, $0x3  }
0x7: {  	_ =	strace $0x80000047;
	s5 =	sadd.s32 s14, s4;
	s4 =	simm.s32 $0x2  }
0x8: {  	[tilespmem:s3], [sflag:$0x2] =	stream.linear.gather [hbm4b:s5+s3], $0x60, $0x38;
	[tilespmem:$0x3080] =	vst v63  }
0x9: {  	_ =	swait.ge [sflag:s4], $0x60  }
0xa: {  	s6 =	simm.s32 $0x60;
	[sflag:s4] =	ssyncset.done $0x0  }
0xb: {  	s7 =	simm.s32 $0x80;
	s8 =	simm.s32 $0x1;
	[sflag:s4] =	ssyncadd.s32 $0xFFFFFFA0  }
0xc: {  	[tilespmem:s7], [sflag:$0x1] =	stream.indirect.gather [hbm4b:s2+s6], $0x80, s3, s6, $0xb8;
	[tilespmem:$0x3080] =	vst v63  }
0xd: {  	s9 =	smul.u32 $0x1200, s9;
	_ =	swait.ge [sflag:s8], $0x3000  }
0xe: {  	s15 =	sadd.s32 $0xA00, s10;
	[sflag:s8] =	ssyncset.done $0x0  }
0xf: {  	s9 =	sadd.s32 s15, s9;
	[sflag:s8] =	ssyncadd.s32 $0xFFFFD000  }
0x10: {  	[hbm4b:s9+s3] =	stream.linear.scatter [tilespmem:s7], [sflag:$0x2], $0x3000, $0x38;
	[tilespmem:$0x3080] =	vst v63  }
0x11: {  	s11 =	sadd.s32 $0x60, s12;
	_ =	swait.ge [sflag:s4], $0x3000  }
0x12: {  	s29 =	sshrl.u32 s11, $0x3;
	[sflag:s4] =	ssyncset.done $0x0  }
0x13: {  	s10 =	sadd.s32 s14, s29;
	[sflag:s4] =	ssyncadd.s32 $0xFFFFD000  }
0x14: {  	[tilespmem:s3], [sflag:$0x2] =	stream.linear.gather [hbm4b:s10+s3], $0x60, $0x38;
	[tilespmem:$0x3080] =	vst v63  }
0x15: {  	_ =	swait.ge [sflag:s4], $0x60  }
0x16: {  	[sflag:s4] =	ssyncset.done $0x0  }
0x17: {  	[sflag:s4] =	ssyncadd.s32 $0xFFFFFFA0  }
0x18: {  	[tilespmem:s7], [sflag:$0x1] =	stream.indirect.gather [hbm4b:s2+s6], $0x80, s3, s6, $0xb8;
	[tilespmem:$0x3080] =	vst v63  }
0x19: {  	_ =	swait.ge [sflag:s8], $0x3000  }
0x1a: {  	s11 =	sshll.u32 s11, $0x4;
	[sflag:s8] =	ssyncset.done $0x0  }
0x1b: {  	s11 =	sadd.s32 s15, s11;
	[sflag:s8] =	ssyncadd.s32 $0xFFFFD000  }
0x1c: {  	[hbm4b:s11+s3] =	stream.linear.scatter [tilespmem:s7], [sflag:$0x2], $0x3000, $0x38;
	[tilespmem:$0x3080] =	vst v63  }
0x1d: {  	s16 =	sadd.s32 $0xC0, s12;
	_ =	swait.ge [sflag:s4], $0x3000  }
0x1e: {  	s12 =	sshrl.u32 s16, $0x3;
	[sflag:s4] =	ssyncset.done $0x0  }
0x1f: {  	s13 =	ssub.s32 $0x2, s13;
	s12 =	sadd.s32 s14, s12;
	[sflag:s4] =	ssyncadd.s32 $0xFFFFD000  }
0x20: {  	[tilespmem:s3], [sflag:$0x2] =	stream.linear.gather [hbm4b:s12+s3], $0x60, $0x38;
	[tilespmem:$0x3080] =	vst v63  }
0x21: {  	s30 =	sshrl.u32 s13, $0x1;
	_ =	swait.ge [sflag:s4], $0x60  }
0x22: {  	s14 =	ssub.s32 s13, s30;
	[sflag:s4] =	ssyncset.done $0x0  }
0x23: {  	s14 =	smax.u32 s14, $0x1;
	[sflag:s4] =	ssyncadd.s32 $0xFFFFFFA0  }
0x24: {  	[tilespmem:s7], [sflag:$0x1] =	stream.indirect.gather [hbm4b:s2+s6], $0x80, s3, s6, $0xb8;
	[tilespmem:$0x3080] =	vst v63  }
0x25: {  	p0 =	sne.s32 s14, $0x1;
	_ =	swait.ge [sflag:s8], $0x3000  }
.Ltmp0:
0x26: {  	s31 =	sshll.u32 s16, $0x4;
	[sflag:s8] =	ssyncset.done $0x0;
	(pc) =	sbr.rel @!p0 .LBB2_2-.Ltmp0, $4  }
0x27: {  	s13 =	sadd.s32 s15, s31;
	[sflag:s8] =	ssyncadd.s32 $0xFFFFD000  }
0x28: {  	[hbm4b:s13+s3] =	stream.linear.scatter [tilespmem:s7], [sflag:$0x2], $0x3000, $0x38;
	[tilespmem:$0x3080] =	vst v63  }
0x29: {  	_ =	swait.ge [sflag:s4], $0x3000  }
0x2a: {  	s14 =	sadd.s32 $0xFFFFFFFF, s14;
	[sflag:s4] =	ssyncset.done $0x0  }
.LBB2_1:
0x2b: {  	p0 =	sne.s32 s14, $0x1;
	s14 =	sadd.s32 $0xFFFFFFFF, s14;
	[sflag:s4] =	ssyncadd.s32 $0xFFFFD000  }
0x2c: {  	[tilespmem:s3], [sflag:$0x2] =	stream.linear.gather [hbm4b:s5+s3], $0x60, $0x38;
	[tilespmem:$0x3080] =	vst v63  }
0x2d: {  	_ =	swait.ge [sflag:s4], $0x60  }
0x2e: {  	[sflag:s4] =	ssyncset.done $0x0  }
0x2f: {  	[sflag:s4] =	ssyncadd.s32 $0xFFFFFFA0  }
0x30: {  	[tilespmem:s7], [sflag:$0x1] =	stream.indirect.gather [hbm4b:s2+s6], $0x80, s3, s6, $0xb8;
	[tilespmem:$0x3080] =	vst v63  }
0x31: {  	_ =	swait.ge [sflag:s8], $0x3000  }
0x32: {  	[sflag:s8] =	ssyncset.done $0x0  }
0x33: {  	[sflag:s8] =	ssyncadd.s32 $0xFFFFD000  }
0x34: {  	[hbm4b:s9+s3] =	stream.linear.scatter [tilespmem:s7], [sflag:$0x2], $0x3000, $0x38;
	[tilespmem:$0x3080] =	vst v63  }
0x35: {  	_ =	swait.ge [sflag:s4], $0x3000  }
0x36: {  	[sflag:s4] =	ssyncset.done $0x0  }
0x37: {  	[sflag:s4] =	ssyncadd.s32 $0xFFFFD000  }
0x38: {  	[tilespmem:s3], [sflag:$0x2] =	stream.linear.gather [hbm4b:s10+s3], $0x60, $0x38;
	[tilespmem:$0x3080] =	vst v63  }
0x39: {  	_ =	swait.ge [sflag:s4], $0x60  }
0x3a: {  	[sflag:s4] =	ssyncset.done $0x0  }
0x3b: {  	[sflag:s4] =	ssyncadd.s32 $0xFFFFFFA0  }
0x3c: {  	[tilespmem:s7], [sflag:$0x1] =	stream.indirect.gather [hbm4b:s2+s6], $0x80, s3, s6, $0xb8;
	[tilespmem:$0x3080] =	vst v63  }
0x3d: {  	_ =	swait.ge [sflag:s8], $0x3000  }
0x3e: {  	[sflag:s8] =	ssyncset.done $0x0  }
0x3f: {  	[sflag:s8] =	ssyncadd.s32 $0xFFFFD000  }
0x40: {  	[hbm4b:s11+s3] =	stream.linear.scatter [tilespmem:s7], [sflag:$0x2], $0x3000, $0x38;
	[tilespmem:$0x3080] =	vst v63  }
0x41: {  	_ =	swait.ge [sflag:s4], $0x3000  }
0x42: {  	[sflag:s4] =	ssyncset.done $0x0  }
0x43: {  	[sflag:s4] =	ssyncadd.s32 $0xFFFFD000  }
0x44: {  	[tilespmem:s3], [sflag:$0x2] =	stream.linear.gather [hbm4b:s12+s3], $0x60, $0x38;
	[tilespmem:$0x3080] =	vst v63  }
0x45: {  	_ =	swait.ge [sflag:s4], $0x60  }
0x46: {  	[sflag:s4] =	ssyncset.done $0x0  }
0x47: {  	[sflag:s4] =	ssyncadd.s32 $0xFFFFFFA0  }
0x48: {  	[tilespmem:s7], [sflag:$0x1] =	stream.indirect.gather [hbm4b:s2+s6], $0x80, s3, s6, $0xb8;
	[tilespmem:$0x3080] =	vst v63  }
0x49: {  	_ =	swait.ge [sflag:s8], $0x3000  }
.Ltmp1:
0x4a: {  	[sflag:s8] =	ssyncset.done $0x0;
	(pc) =	sbr.rel @p0 .LBB2_1-.Ltmp1, $4  }
0x4b: {  	[sflag:s8] =	ssyncadd.s32 $0xFFFFD000  }
0x4c: {  	[hbm4b:s13+s3] =	stream.linear.scatter [tilespmem:s7], [sflag:$0x2], $0x3000, $0x38;
	[tilespmem:$0x3080] =	vst v63  }
0x4d: {  	_ =	swait.ge [sflag:s4], $0x3000  }
0x4e: {  	[sflag:s4] =	ssyncset.done $0x0  }
.LBB2_2:
0x4f: {  	[sflag:s4] =	ssyncadd.s32 $0xFFFFD000  }
0x50: {  	_ =	sfence.sel $0x180000  }
0x51: {  	[bflag:$0x0] =	sbarrier.arrive $0xFFFF  }
0x52: {  	p0 =	sne.s32 s0, $0x0;
	_ =	strace $0x90000047  }
0x53: {  	s0 =	sadd.s32 @!p0 $0x100000, s1;
	[bflag:$0x2] =	sbarrier.arrive $0xFFFF  }
0x54: {  	[sflag:s0] =	ssyncadd.tile.s32 @!p0 $0x1;
	_ =	shalt  }
.Lfunc_end2:
_tile_overlayer_lowered:
.L_overlay_start_2:
0x55: {  	(tag) =	ssettag $0x2  }
0x56: {  	s0 =	rddreg [dreg:$0x0];
	s2 =	stileid.u32  }
0x57: {  	s1 =	rddreg [dreg:$0x1];
	p0 =	sne.s32 s2, $0x0  }
0x58: {  	s3 =	rddreg [dreg:$0x2];
	[bflag:$0x3] =	sbarrier.arrive $0xFFFF;
	s2 =	simm.s32 @!p0 $0x1C02  }
0x59: {  	[timem:s3], [sflag:s2] =	dma.local @!p0 [hbm:s0], s1  }
0x5a: {  	s0 =	simm.s32 @!p0 $0x2  }
0x5b: {  	_ =	swait.ge @!p0 [sflag:s0], s1  }
0x5c: {  	s1 =	ssub.s32 @!p0 $0x0, s1;
	[sflag:s0] =	ssyncset.done @!p0 $0x0  }
0x5d: {  	[sflag:s0] =	ssyncadd.s32 @!p0 s1  }
0x5e: {  	[bflag:$0x3] =	sbarrier.arrive $0xFFFF  }
0x5f: {  	_ =	shalt  }

</sc_bundles>
